<compile_context>
chip_gen: v7x
topology: tpu7x:2x2x1
jax: 0.10.2.dev20260603
libtpu: 0.0.44.dev20260713+nightly
codegen_flags: <defaults>
</compile_context>

<pallas_src>
import functools

import jax
import jax.numpy as jnp
from jax import lax
from jax.experimental import pallas as pl
from jax.experimental.pallas import tpu as pltpu
from jax.experimental.pallas import tpu_sc as plsc

GATHER_WINDOW = 512


def _sc_gather(table, ids1):
    n = ids1.shape[0]
    d = table.shape[1]
    mesh = plsc.VectorSubcoreMesh(core_axis_name="c", subcore_axis_name="s")

    @functools.partial(
        pl.kernel,
        out_type=jax.ShapeDtypeStruct((n, d), table.dtype),
        mesh=mesh,
        compiler_params=pltpu.CompilerParams(use_tc_tiling_on_sc=False),
    )
    def gk(table_hbm, ids_hbm, out_hbm):
        def body(i_vmem, o_vmem):
            pltpu.sync_copy(table_hbm.at[i_vmem], o_vmem)

        pltpu.emit_pipeline(
            body,
            grid=(n // GATHER_WINDOW,),
            in_specs=[pl.BlockSpec((GATHER_WINDOW,), lambda i: (i,))],
            out_specs=[pl.BlockSpec((GATHER_WINDOW, d), lambda i: (i, 0))],
            core_axis_name=("c", "s"),
            dimension_semantics=(pltpu.PARALLEL,),
        )(ids_hbm, out_hbm)

    return gk(table, ids1)





def _mlp_concat(xr, W1, b1, W2, b2, bsz, block_b=512):
    k = W1.shape[0]
    hid = W1.shape[1]
    out = W2.shape[1]
    n_chunks = k // 128
    n_b = bsz // block_b

    def body(*refs):
        xs = refs[:n_chunks]
        w1_ref, b1_ref, w2_ref, b2_ref, o_ref = refs[n_chunks:]
        x = jnp.concatenate([r[...] for r in xs], axis=1).astype(jnp.bfloat16)
        h = jnp.dot(x, w1_ref[...].astype(jnp.bfloat16),
                    preferred_element_type=jnp.float32) + b1_ref[...]
        h = jnp.maximum(h, 0.0).astype(jnp.bfloat16)
        o = jnp.dot(h, w2_ref[...].astype(jnp.bfloat16),
                    preferred_element_type=jnp.float32) + b2_ref[...]
        o_ref[...] = jnp.maximum(o, 0.0)

    x_specs = [
        pl.BlockSpec((block_b, 128), lambda i, J=j: (J * n_b + i, 0))
        for j in range(n_chunks)
    ]
    return pl.pallas_call(
        body,
        grid=(n_b,),
        in_specs=x_specs + [
            pl.BlockSpec((k, hid), lambda i: (0, 0)),
            pl.BlockSpec((1, hid), lambda i: (0, 0)),
            pl.BlockSpec((hid, out), lambda i: (0, 0)),
            pl.BlockSpec((1, out), lambda i: (0, 0)),
        ],
        out_specs=pl.BlockSpec((block_b, out), lambda i: (i, 0)),
        out_shape=jax.ShapeDtypeStruct((bsz, out), jnp.float32),
        compiler_params=pltpu.CompilerParams(
            dimension_semantics=("parallel",)),
    )(*([xr] * n_chunks), W1, b1, W2, b2)


def kernel(input_ids, emb, W1, b1, W2, b2):
    bsz, seq = input_ids.shape
    d = emb.shape[1]
    emb128 = lax.optimization_barrier(emb.reshape(-1, 2 * d))
    table = emb128.reshape(emb.shape)
    idsT = input_ids.astype(jnp.int32).T
    ev = lax.pad(idsT[0::2], 0, [(0, 0, 0), (0, 1, 1)])
    od = lax.pad(idsT[1::2], 0, [(0, 0, 0), (1, 0, 1)])
    ids_perm = (ev + od).reshape(-1)
    g = _sc_gather(table, ids_perm)
    xr = g.reshape(-1, 2 * d)
    return _mlp_concat(xr, W1, b1.reshape(1, -1), W2, b2.reshape(1, -1), bsz)

# --- scband reference (transcript-rebuilt; emitter-appended) ---
"""Pipeline reference for scband-dnntext-encoder-32538672234641 (READ-ONLY COPY).

The authoritative reference and input builder live on the scoring server;
editing this copy changes nothing except your own understanding.
"""

import jax, jax.numpy as jnp
import numpy as np

VOCAB = 100000
EMB_DIM = 64
SEQ_LEN = 50
BATCH = 4096
HIDDEN = 512
OUT_DIM = 256


def setup_inputs(seed: int = 0) -> dict:
    key = jax.random.key(seed)
    k_ids, k_emb, k_w1, k_b1, k_w2, k_b2 = jax.random.split(key, 6)
    input_ids = jax.random.randint(k_ids, (BATCH, SEQ_LEN), 0, VOCAB, dtype=jnp.int64 if jax.config.jax_enable_x64 else jnp.int32)
    emb = jax.random.normal(k_emb, (VOCAB, EMB_DIM), dtype=jnp.float32) * 0.02
    # padding_idx=0 -> row 0 is zeros (as torch nn.Embedding padding_idx init)
    emb = emb.at[0].set(0.0)
    W1 = jax.random.normal(k_w1, (EMB_DIM * SEQ_LEN, HIDDEN), dtype=jnp.float32) * (1.0 / np.sqrt(EMB_DIM * SEQ_LEN))
    b1 = jax.random.normal(k_b1, (HIDDEN,), dtype=jnp.float32) * 0.01
    W2 = jax.random.normal(k_w2, (HIDDEN, OUT_DIM), dtype=jnp.float32) * (1.0 / np.sqrt(HIDDEN))
    b2 = jax.random.normal(k_b2, (OUT_DIM,), dtype=jnp.float32) * 0.01
    return {"input_ids": input_ids, "emb": emb, "W1": W1, "b1": b1, "W2": W2, "b2": b2}


def reference(input_ids, emb, W1, b1, W2, b2):
    # nn.Embedding lookup (gather)
    e = jnp.take(emb, input_ids, axis=0)           # [B, S, D]
    x = e.reshape(e.shape[0], -1)                   # flatten(1) -> [B, S*D]
    h = jax.nn.relu(x @ W1 + b1)                    # Linear(S*D, 512) + ReLU
    # Dropout is identity in eval mode
    out = jax.nn.relu(h @ W2 + b2)                  # Linear(512, out_dim) + ReLU
    return out

if __name__ == "__main__":
    import jax
    _d = setup_inputs()
    print(jax.jit(kernel)(*tuple(_d.values())))

</pallas_src>

<mosaic_0001>
#map = affine_map<(d0, d1) -> (0, 0)>
#map1 = affine_map<(d0, d1) -> (0)>
module attributes {stable_mosaic.version = 14 : i64} {
  func.func @gk(%arg0: i32, %arg1: i32, %arg2: memref<100000x64xf32, #tpu.memory_space<hbm>>, %arg3: memref<204800xi32, #tpu.memory_space<hbm>>, %arg4: memref<204800x64xf32, #tpu.memory_space<hbm>>) attributes {dimension_semantics = [#tpu.dimension_semantics<core_parallel>, #tpu.dimension_semantics<subcore_parallel>], iteration_bounds = array<i64: 2, 16>, scalar_prefetch = 0 : i64, scratch_operands = 0 : i64, tpu.core_type = #tpu.core_type<sc_vector_subcore>, window_params = [{transform_indices = #map}, {transform_indices = #map1}, {transform_indices = #map}]} {
    %mul3A = arith.constant 1 : i32
    %mul3A_0 = arith.muli %arg1, %mul3A : i32
    %add3A = arith.constant 0 : i32
    %add3A_1 = arith.addi %add3A, %mul3A_0 : i32
    %mul3A_2 = arith.constant 16 : i32
    %mul3A_3 = arith.muli %arg0, %mul3A_2 : i32
    %add3A_4 = arith.addi %add3A_1, %mul3A_3 : i32
    %lt3A = arith.constant 16 : i32
    %lt3A_5 = arith.cmpi slt, %add3A_4, %lt3A : i32
    %jit3A = arith.constant 13 : i32
    %jit3A_6 = arith.constant 12 : i32
    %select_n3A = arith.select %lt3A_5, %jit3A, %jit3A_6 : i32
    %lt3A_7 = arith.constant 16 : i32
    %lt3A_8 = arith.cmpi slt, %add3A_4, %lt3A_7 : i32
    %mul3A_9 = arith.muli %add3A_4, %select_n3A : i32
    %mul3A_10 = arith.constant 12 : i32
    %mul3A_11 = arith.muli %add3A_4, %mul3A_10 : i32
    %add3A_12 = arith.constant 16 : i32
    %add3A_13 = arith.addi %mul3A_11, %add3A_12 : i32
    %select_n3A_14 = arith.select %lt3A_8, %mul3A_9, %add3A_13 : i32
    %mul3A_15 = arith.constant 1 : i32
    %mul3A_16 = arith.muli %mul3A_15, %select_n3A : i32
    "tpu.region"() ({
      %run_scoped3A = memref.alloca() : memref<1024xi32, #tpu.memory_space<vmem>>
      %run_scoped3A_17 = tpu.sem_alloc : memref<2x!tpu.dma_semaphore, #tpu.memory_space<semaphore_mem>>
      %run_scoped3A_18 = memref.alloca() : memref<2x512x64xf32, #tpu.memory_space<vmem>>
      %run_scoped3A_19 = tpu.sem_alloc : memref<2x!tpu.dma_semaphore, #tpu.memory_space<semaphore_mem>>
      %gt3A = arith.constant 0 : i32
      %gt3A_20 = arith.cmpi sgt, %mul3A_16, %gt3A : i32
      %convert_element_type3A = arith.extui %gt3A_20 : i1 to i32
      %cond3A = arith.constant 0 : i32
      %cond3A_21 = arith.cmpi ne, %convert_element_type3A, %cond3A : i32
      scf.if %cond3A_21 {
        %mul3A_22 = arith.constant 1 : i32
        %mul3A_23 = arith.muli %mul3A_22, %select_n3A : i32
        %sub3A = arith.constant 1 : i32
        %sub3A_24 = arith.subi %mul3A_23, %sub3A : i32
        %eq3A = arith.constant 0 : i32
        %eq3A_25 = arith.cmpi eq, %sub3A_24, %eq3A : i32
        %add3A_26 = arith.constant 0 : i32
        %add3A_27 = arith.addi %add3A_26, %select_n3A_14 : i32
        %select_n3A_28 = arith.constant true
        %select_n3A_29 = arith.constant 0 : i32
        %select_n3A_30 = arith.constant -1 : i32
        %select_n3A_31 = arith.select %select_n3A_28, %select_n3A_30, %select_n3A_29 : i32
        %eq3A_32 = arith.constant -1 : i32
        %eq3A_33 = arith.cmpi eq, %select_n3A_31, %eq3A_32 : i32
        %sub3A_34 = arith.constant 1 : i32
        %sub3A_35 = arith.subi %select_n3A, %sub3A_34 : i32
        %select_n3A_36 = arith.select %eq3A_33, %sub3A_35, %select_n3A_31 : i32
        %add3A_37 = arith.addi %select_n3A_36, %select_n3A_14 : i32
        %select_n3A_38 = arith.constant true
        %select_n3A_39 = arith.constant 0 : i32
        %select_n3A_40 = arith.constant 1 : i32
        %select_n3A_41 = arith.select %select_n3A_38, %select_n3A_40, %select_n3A_39 : i32
        %eq3A_42 = arith.cmpi eq, %select_n3A_41, %select_n3A : i32
        %select_n3A_43 = arith.constant 0 : i32
        %select_n3A_44 = arith.select %eq3A_42, %select_n3A_43, %select_n3A_41 : i32
        %add3A_45 = arith.addi %select_n3A_44, %select_n3A_14 : i32
        %add3A_46 = arith.constant 1 : i32
        %add3A_47 = arith.addi %select_n3A_44, %add3A_46 : i32
        %select_n3A_48 = arith.constant true
        %select_n3A_49 = arith.select %select_n3A_48, %add3A_47, %select_n3A_44 : i32
        %eq3A_50 = arith.cmpi eq, %select_n3A_49, %select_n3A : i32
        %select_n3A_51 = arith.constant 0 : i32
        %select_n3A_52 = arith.select %eq3A_50, %select_n3A_51, %select_n3A_49 : i32
        %add3A_53 = arith.addi %select_n3A_52, %select_n3A_14 : i32
        "tpu.trace_start"() <{level = 10 : i32, message = "ep_initialize_0"}> : () -> ()
        %rem3A = arith.constant 0 : i32
        %rem3A_54 = arith.constant 2 : i32
        %rem3A_55 = arith.remui %rem3A, %rem3A_54 : i32
        %mul3A_56 = arith.constant 512 : i32
        %mul3A_57 = arith.muli %mul3A_56, %add3A_27 : i32
        %mul3A_58 = arith.constant 512 : i32
        %mul3A_59 = arith.muli %rem3A_55, %mul3A_58 : i32
        %add3A_60 = arith.constant 0 : i32
        %add3A_61 = arith.addi %mul3A_59, %add3A_60 : i32
        %dma_start3A = tpu.memref_slice %run_scoped3A[%add3A_61] : memref<1024xi32, #tpu.memory_space<vmem>> -> memref<512xi32, #tpu.memory_space<vmem>>
        %dma_start3A_62 = tpu.memref_slice %arg3[%mul3A_57] : memref<204800xi32, #tpu.memory_space<hbm>> -> memref<512xi32, #tpu.memory_space<hbm>>
        %dma_start3A_63 = tpu.memref_slice %run_scoped3A_17[%rem3A_55] : memref<2x!tpu.dma_semaphore, #tpu.memory_space<semaphore_mem>> -> memref<1x!tpu.dma_semaphore, #tpu.memory_space<semaphore_mem>>
        %dma_start3A_64 = tpu.memref_squeeze %dma_start3A_63 : memref<1x!tpu.dma_semaphore, #tpu.memory_space<semaphore_mem>> -> memref<!tpu.dma_semaphore, #tpu.memory_space<semaphore_mem>>
        %dma_start3A_65 = tpu.memref_slice %run_scoped3A[%add3A_61] : memref<1024xi32, #tpu.memory_space<vmem>> -> memref<512xi32, #tpu.memory_space<vmem>>
        %dma_start3A_66 = tpu.memref_slice %arg3[%mul3A_57] : memref<204800xi32, #tpu.memory_space<hbm>> -> memref<512xi32, #tpu.memory_space<hbm>>
        tpu.enqueue_dma source(%dma_start3A_66 : memref<512xi32, #tpu.memory_space<hbm>>) target(%dma_start3A_65 : memref<512xi32, #tpu.memory_space<vmem>>) target_semaphore(%dma_start3A_64 : memref<!tpu.dma_semaphore, #tpu.memory_space<semaphore_mem>>)
        %add3A_67 = arith.constant 0 : i32
        %add3A_68 = arith.constant 1 : i32
        %add3A_69 = arith.addi %add3A_67, %add3A_68 : i32
        %select_n3A_70 = arith.constant true
        %select_n3A_71 = arith.constant 0 : i32
        %select_n3A_72 = arith.select %select_n3A_70, %add3A_69, %select_n3A_71 : i32
        %while3A = arith.constant 0 : i32
        %while3A_73 = arith.constant 0 : i32
        %while3A_74 = arith.constant 0 : i32
        %while3A_75 = arith.constant 0 : i32
        %while3A_76 = arith.constant 0 : i32
        "tpu.trace_stop"() : () -> ()
        %while3A_77 = arith.subi %mul3A_16, %while3A : i32
        %while3A_78 = arith.addi %while3A, %while3A_77 : i32
        %while3A_79 = arith.constant 1 : i32
        %while3A_80 = arith.divsi %while3A_77, %while3A_79 : i32
        %while3A_81 = arith.muli %while3A_80, %while3A_79 : i32
        %while3A_82 = arith.addi %while3A, %while3A_81 : i32
        %while3A_83 = arith.constant 1 : i32
        %while3A_84:5 = scf.for %while3A_138 = %while3A to %while3A_82 step %while3A_83 iter_args(%while3A_139 = %select_n3A_72, %while3A_140 = %while3A_73, %while3A_141 = %while3A_74, %while3A_142 = %while3A_75, %while3A_143 = %while3A_76) -> (i32, i32, i32, i32, i32)  : i32 {
          %mul3A_144 = arith.constant 1 : i32
          %mul3A_145 = arith.muli %mul3A_144, %select_n3A : i32
          %eq3A_146 = arith.constant 0 : i32
          %eq3A_147 = arith.cmpi eq, %while3A_138, %eq3A_146 : i32
          %sub3A_148 = arith.constant 1 : i32
          %sub3A_149 = arith.subi %mul3A_145, %sub3A_148 : i32
          %eq3A_150 = arith.cmpi eq, %while3A_138, %sub3A_149 : i32
          %add3A_151 = arith.addi %while3A_143, %select_n3A_14 : i32
          %sub3A_152 = arith.constant 1 : i32
          %sub3A_153 = arith.subi %while3A_143, %sub3A_152 : i32
          %select_n3A_154 = arith.constant true
          %select_n3A_155 = arith.select %select_n3A_154, %sub3A_153, %while3A_143 : i32
          %eq3A_156 = arith.constant -1 : i32
          %eq3A_157 = arith.cmpi eq, %select_n3A_155, %eq3A_156 : i32
          %sub3A_158 = arith.constant 1 : i32
          %sub3A_159 = arith.subi %select_n3A, %sub3A_158 : i32
          %select_n3A_160 = arith.select %eq3A_157, %sub3A_159, %select_n3A_155 : i32
          %add3A_161 = arith.addi %select_n3A_160, %select_n3A_14 : i32
          %add3A_162 = arith.constant 1 : i32
          %add3A_163 = arith.addi %while3A_143, %add3A_162 : i32
          %select_n3A_164 = arith.constant true
          %select_n3A_165 = arith.select %select_n3A_164, %add3A_163, %while3A_143 : i32
          %eq3A_166 = arith.cmpi eq, %select_n3A_165, %select_n3A : i32
          %select_n3A_167 = arith.constant 0 : i32
          %select_n3A_168 = arith.select %eq3A_166, %select_n3A_167, %select_n3A_165 : i32
          %add3A_169 = arith.addi %select_n3A_168, %select_n3A_14 : i32
          %add3A_170 = arith.constant 1 : i32
          %add3A_171 = arith.addi %select_n3A_168, %add3A_170 : i32
          %select_n3A_172 = arith.constant true
          %select_n3A_173 = arith.select %select_n3A_172, %add3A_171, %select_n3A_168 : i32
          %eq3A_174 = arith.cmpi eq, %select_n3A_173, %select_n3A : i32
          %select_n3A_175 = arith.constant 0 : i32
          %select_n3A_176 = arith.select %eq3A_174, %select_n3A_175, %select_n3A_173 : i32
          %add3A_177 = arith.addi %select_n3A_176, %select_n3A_14 : i32
          %ne3A = arith.cmpi ne, %add3A_151, %add3A_169 : i32
          %or3A = arith.constant false
          %or3A_178 = arith.ori %or3A, %ne3A : i1
          %sub3A_179 = arith.constant 2 : i32
          %sub3A_180 = arith.subi %mul3A_145, %sub3A_179 : i32
          %add3A_181 = arith.constant 1 : i32
          %add3A_182 = arith.addi %sub3A_180, %add3A_181 : i32
          %ge3A = arith.cmpi sge, %while3A_138, %add3A_182 : i32
          %not3A = arith.constant true
          %not3A_183 = arith.xori %ge3A, %not3A : i1
          %and3A = arith.andi %or3A_178, %not3A_183 : i1
          %convert_element_type3A_184 = arith.extui %and3A : i1 to i32
          %cond3A_185 = arith.constant 0 : i32
          %cond3A_186 = arith.cmpi ne, %convert_element_type3A_184, %cond3A_185 : i32
          scf.if %cond3A_186 {
            "tpu.trace_start"() <{level = 10 : i32, message = "ep_copy_in"}> : () -> ()
            %rem3A_291 = arith.constant 2 : i32
            %rem3A_292 = arith.remui %while3A_139, %rem3A_291 : i32
            %mul3A_293 = arith.constant 512 : i32
            %mul3A_294 = arith.muli %mul3A_293, %add3A_169 : i32
            %mul3A_295 = arith.constant 512 : i32
            %mul3A_296 = arith.muli %rem3A_292, %mul3A_295 : i32
            %add3A_297 = arith.constant 0 : i32
            %add3A_298 = arith.addi %mul3A_296, %add3A_297 : i32
            %dma_start3A_299 = tpu.memref_slice %run_scoped3A[%add3A_298] : memref<1024xi32, #tpu.memory_space<vmem>> -> memref<512xi32, #tpu.memory_space<vmem>>
            %dma_start3A_300 = tpu.memref_slice %arg3[%mul3A_294] : memref<204800xi32, #tpu.memory_space<hbm>> -> memref<512xi32, #tpu.memory_space<hbm>>
            %dma_start3A_301 = tpu.memref_slice %run_scoped3A_17[%rem3A_292] : memref<2x!tpu.dma_semaphore, #tpu.memory_space<semaphore_mem>> -> memref<1x!tpu.dma_semaphore, #tpu.memory_space<semaphore_mem>>
            %dma_start3A_302 = tpu.memref_squeeze %dma_start3A_301 : memref<1x!tpu.dma_semaphore, #tpu.memory_space<semaphore_mem>> -> memref<!tpu.dma_semaphore, #tpu.memory_space<semaphore_mem>>
            %dma_start3A_303 = tpu.memref_slice %run_scoped3A[%add3A_298] : memref<1024xi32, #tpu.memory_space<vmem>> -> memref<512xi32, #tpu.memory_space<vmem>>
            %dma_start3A_304 = tpu.memref_slice %arg3[%mul3A_294] : memref<204800xi32, #tpu.memory_space<hbm>> -> memref<512xi32, #tpu.memory_space<hbm>>
            tpu.enqueue_dma source(%dma_start3A_304 : memref<512xi32, #tpu.memory_space<hbm>>) target(%dma_start3A_303 : memref<512xi32, #tpu.memory_space<vmem>>) target_semaphore(%dma_start3A_302 : memref<!tpu.dma_semaphore, #tpu.memory_space<semaphore_mem>>)
            "tpu.trace_stop"() : () -> ()
          } else {
          }
          %and3A_187 = arith.constant true
          %and3A_188 = arith.andi %and3A, %and3A_187 : i1
          %add3A_189 = arith.constant 1 : i32
          %add3A_190 = arith.addi %while3A_139, %add3A_189 : i32
          %select_n3A_191 = arith.select %and3A_188, %add3A_190, %while3A_139 : i32
          %ne3A_192 = arith.cmpi ne, %add3A_151, %add3A_169 : i32
          %or3A_193 = arith.constant false
          %or3A_194 = arith.ori %or3A_193, %ne3A_192 : i1
          %or3A_195 = arith.constant false
          %or3A_196 = arith.ori %or3A_194, %or3A_195 : i1
          %sub3A_197 = arith.constant 2 : i32
          %sub3A_198 = arith.subi %mul3A_145, %sub3A_197 : i32
          %add3A_199 = arith.constant 1 : i32
          %add3A_200 = arith.addi %sub3A_198, %add3A_199 : i32
          %ge3A_201 = arith.cmpi sge, %while3A_138, %add3A_200 : i32
          %not3A_202 = arith.constant true
          %not3A_203 = arith.xori %ge3A_201, %not3A_202 : i1
          %and3A_204 = arith.andi %or3A_196, %not3A_203 : i1
          %ne3A_205 = arith.cmpi ne, %add3A_151, %add3A_161 : i32
          %or3A_206 = arith.constant false
          %or3A_207 = arith.ori %or3A_206, %ne3A_205 : i1
          %or3A_208 = arith.ori %or3A_207, %eq3A_147 : i1
          %convert_element_type3A_209 = arith.extui %or3A_208 : i1 to i32
          %cond3A_210 = arith.constant 0 : i32
          %cond3A_211 = arith.cmpi ne, %convert_element_type3A_209, %cond3A_210 : i32
          scf.if %cond3A_211 {
            "tpu.trace_start"() <{level = 10 : i32, message = "ep_wait_in"}> : () -> ()
            %mul3A_291 = arith.constant 512 : i32
            %mul3A_292 = arith.muli %mul3A_291, %add3A_151 : i32
            %rem3A_293 = arith.constant 2 : i32
            %rem3A_294 = arith.remui %while3A_140, %rem3A_293 : i32
            %mul3A_295 = arith.constant 512 : i32
            %mul3A_296 = arith.muli %rem3A_294, %mul3A_295 : i32
            %add3A_297 = arith.constant 0 : i32
            %add3A_298 = arith.addi %mul3A_296, %add3A_297 : i32
            %dma_wait3A = tpu.memref_slice %run_scoped3A[%add3A_298] : memref<1024xi32, #tpu.memory_space<vmem>> -> memref<512xi32, #tpu.memory_space<vmem>>
            %dma_wait3A_299 = tpu.memref_slice %arg3[%mul3A_292] : memref<204800xi32, #tpu.memory_space<hbm>> -> memref<512xi32, #tpu.memory_space<hbm>>
            %dma_wait3A_300 = tpu.memref_slice %run_scoped3A_17[%rem3A_294] : memref<2x!tpu.dma_semaphore, #tpu.memory_space<semaphore_mem>> -> memref<1x!tpu.dma_semaphore, #tpu.memory_space<semaphore_mem>>
            %dma_wait3A_301 = tpu.memref_squeeze %dma_wait3A_300 : memref<1x!tpu.dma_semaphore, #tpu.memory_space<semaphore_mem>> -> memref<!tpu.dma_semaphore, #tpu.memory_space<semaphore_mem>>
            %dma_wait3A_302 = tpu.memref_slice %run_scoped3A[%add3A_298] : memref<1024xi32, #tpu.memory_space<vmem>> -> memref<512xi32, #tpu.memory_space<vmem>>
            %dma_wait3A_303 = tpu.memref_slice %arg3[%mul3A_292] : memref<204800xi32, #tpu.memory_space<hbm>> -> memref<512xi32, #tpu.memory_space<hbm>>
            tpu.wait_dma2 semaphore(%dma_wait3A_301 : memref<!tpu.dma_semaphore, #tpu.memory_space<semaphore_mem>>) src(%dma_wait3A_303 : memref<512xi32, #tpu.memory_space<hbm>>) dst(%dma_wait3A_302 : memref<512xi32, #tpu.memory_space<vmem>>)
            "tpu.trace_stop"() : () -> ()
          } else {
          }
          %ne3A_212 = arith.cmpi ne, %add3A_151, %add3A_161 : i32
          %or3A_213 = arith.constant false
          %or3A_214 = arith.ori %or3A_213, %ne3A_212 : i1
          %or3A_215 = arith.constant false
          %or3A_216 = arith.ori %or3A_214, %or3A_215 : i1
          %or3A_217 = arith.ori %or3A_216, %eq3A_147 : i1
          %convert_element_type3A_218 = arith.extui %or3A_217 : i1 to i32
          %cond3A_219 = arith.constant 0 : i32
          %cond3A_220 = arith.cmpi ne, %convert_element_type3A_218, %cond3A_219 : i32
          scf.if %cond3A_220 {
          } else {
          }
          %rem3A_221 = arith.constant 2 : i32
          %rem3A_222 = arith.remui %while3A_140, %rem3A_221 : i32
          %mul3A_223 = arith.constant 512 : i32
          %mul3A_224 = arith.muli %rem3A_222, %mul3A_223 : i32
          %rem3A_225 = arith.constant 2 : i32
          %rem3A_226 = arith.remui %while3A_141, %rem3A_225 : i32
          "tpu.trace_start"() <{level = 10 : i32, message = "ep_run_kernel"}> : () -> ()
          "tpu.region"() ({
            %run_scoped3A_291 = tpu.sem_alloc : memref<!tpu.dma_semaphore, #tpu.memory_space<semaphore_mem>>
            %dma_start3A_292 = arith.constant 0 : i32
            %dma_start3A_293 = arith.constant 0 : i32
            %dma_start3A_294 = tpu.memref_slice %run_scoped3A_18[%rem3A_226, %dma_start3A_292, %dma_start3A_293] : memref<2x512x64xf32, #tpu.memory_space<vmem>> -> memref<1x512x64xf32, #tpu.memory_space<vmem>>
            %dma_start3A_295 = tpu.memref_squeeze %dma_start3A_294 : memref<1x512x64xf32, #tpu.memory_space<vmem>> -> memref<512x64xf32, #tpu.memory_space<vmem>>
            %dma_start3A_296 = tpu.memref_slice %run_scoped3A[%mul3A_224] : memref<1024xi32, #tpu.memory_space<vmem>> -> memref<512xi32, #tpu.memory_space<vmem>>
            %dma_start3A_297 = arith.constant 0 : i32
            %dma_start3A_298 = arith.constant 0 : i32
            %dma_start3A_299 = tpu.memref_slice %arg2[%dma_start3A_297, %dma_start3A_298] : memref<100000x64xf32, #tpu.memory_space<hbm>> -> memref<100000x64xf32, #tpu.memory_space<hbm>>
            tpu.enqueue_indirect_dma source(%dma_start3A_299 : memref<100000x64xf32, #tpu.memory_space<hbm>>) target(%dma_start3A_295 : memref<512x64xf32, #tpu.memory_space<vmem>>) offsets(%dma_start3A_296 : memref<512xi32, #tpu.memory_space<vmem>>) semaphore(%run_scoped3A_291 : memref<!tpu.dma_semaphore, #tpu.memory_space<semaphore_mem>>)
            %dma_wait3A = arith.constant 0 : i32
            %dma_wait3A_300 = arith.constant 0 : i32
            %dma_wait3A_301 = tpu.memref_slice %run_scoped3A_18[%rem3A_226, %dma_wait3A, %dma_wait3A_300] : memref<2x512x64xf32, #tpu.memory_space<vmem>> -> memref<1x512x64xf32, #tpu.memory_space<vmem>>
            %dma_wait3A_302 = tpu.memref_squeeze %dma_wait3A_301 : memref<1x512x64xf32, #tpu.memory_space<vmem>> -> memref<512x64xf32, #tpu.memory_space<vmem>>
            %dma_wait3A_303 = tpu.memref_slice %run_scoped3A[%mul3A_224] : memref<1024xi32, #tpu.memory_space<vmem>> -> memref<512xi32, #tpu.memory_space<vmem>>
            %dma_wait3A_304 = arith.constant 0 : i32
            %dma_wait3A_305 = arith.constant 0 : i32
            %dma_wait3A_306 = tpu.memref_slice %arg2[%dma_wait3A_304, %dma_wait3A_305] : memref<100000x64xf32, #tpu.memory_space<hbm>> -> memref<100000x64xf32, #tpu.memory_space<hbm>>
            tpu.wait_indirect_dma semaphore(%run_scoped3A_291 : memref<!tpu.dma_semaphore, #tpu.memory_space<semaphore_mem>>) src(%dma_wait3A_306 : memref<100000x64xf32, #tpu.memory_space<hbm>>) dst(%dma_wait3A_302 : memref<512x64xf32, #tpu.memory_space<vmem>>)
            tpu.yield
          }) : () -> ()
          "tpu.trace_stop"() : () -> ()
          %ne3A_227 = arith.cmpi ne, %add3A_151, %add3A_169 : i32
          %or3A_228 = arith.constant false
          %or3A_229 = arith.ori %or3A_228, %ne3A_227 : i1
          %or3A_230 = arith.ori %or3A_229, %eq3A_150 : i1
          %convert_element_type3A_231 = arith.extui %or3A_230 : i1 to i32
          %cond3A_232 = arith.constant 0 : i32
          %cond3A_233 = arith.cmpi ne, %convert_element_type3A_231, %cond3A_232 : i32
          scf.if %cond3A_233 {
          } else {
          }
          %and3A_234 = arith.constant false
          %and3A_235 = arith.andi %or3A_230, %and3A_234 : i1
          %ne3A_236 = arith.cmpi ne, %add3A_151, %add3A_169 : i32
          %or3A_237 = arith.constant false
          %or3A_238 = arith.ori %or3A_237, %ne3A_236 : i1
          %or3A_239 = arith.constant false
          %or3A_240 = arith.ori %or3A_238, %or3A_239 : i1
          %or3A_241 = arith.ori %or3A_240, %eq3A_150 : i1
          %convert_element_type3A_242 = arith.extui %or3A_241 : i1 to i32
          %cond3A_243 = arith.constant 0 : i32
          %cond3A_244 = arith.cmpi ne, %convert_element_type3A_242, %cond3A_243 : i32
          scf.if %cond3A_244 {
            "tpu.trace_start"() <{level = 10 : i32, message = "ep_copy_out"}> : () -> ()
            %rem3A_291 = arith.constant 2 : i32
            %rem3A_292 = arith.remui %while3A_141, %rem3A_291 : i32
            %mul3A_293 = arith.constant 512 : i32
            %mul3A_294 = arith.muli %mul3A_293, %add3A_151 : i32
            %dma_start3A_295 = arith.constant 0 : i32
            %dma_start3A_296 = arith.constant 0 : i32
            %dma_start3A_297 = tpu.memref_slice %run_scoped3A_18[%rem3A_292, %dma_start3A_295, %dma_start3A_296] : memref<2x512x64xf32, #tpu.memory_space<vmem>> -> memref<1x512x64xf32, #tpu.memory_space<vmem>>
            %dma_start3A_298 = tpu.memref_squeeze %dma_start3A_297 : memref<1x512x64xf32, #tpu.memory_space<vmem>> -> memref<512x64xf32, #tpu.memory_space<vmem>>
            %dma_start3A_299 = arith.constant 0 : i32
            %dma_start3A_300 = tpu.memref_slice %arg4[%mul3A_294, %dma_start3A_299] : memref<204800x64xf32, #tpu.memory_space<hbm>> -> memref<512x64xf32, #tpu.memory_space<hbm>>
            %dma_start3A_301 = tpu.memref_slice %run_scoped3A_19[%rem3A_292] : memref<2x!tpu.dma_semaphore, #tpu.memory_space<semaphore_mem>> -> memref<1x!tpu.dma_semaphore, #tpu.memory_space<semaphore_mem>>
            %dma_start3A_302 = tpu.memref_squeeze %dma_start3A_301 : memref<1x!tpu.dma_semaphore, #tpu.memory_space<semaphore_mem>> -> memref<!tpu.dma_semaphore, #tpu.memory_space<semaphore_mem>>
            %dma_start3A_303 = arith.constant 0 : i32
            %dma_start3A_304 = tpu.memref_slice %arg4[%mul3A_294, %dma_start3A_303] : memref<204800x64xf32, #tpu.memory_space<hbm>> -> memref<512x64xf32, #tpu.memory_space<hbm>>
            %dma_start3A_305 = arith.constant 0 : i32
            %dma_start3A_306 = arith.constant 0 : i32
            %dma_start3A_307 = tpu.memref_slice %run_scoped3A_18[%rem3A_292, %dma_start3A_305, %dma_start3A_306] : memref<2x512x64xf32, #tpu.memory_space<vmem>> -> memref<1x512x64xf32, #tpu.memory_space<vmem>>
            %dma_start3A_308 = tpu.memref_squeeze %dma_start3A_307 : memref<1x512x64xf32, #tpu.memory_space<vmem>> -> memref<512x64xf32, #tpu.memory_space<vmem>>
            tpu.enqueue_dma source(%dma_start3A_308 : memref<512x64xf32, #tpu.memory_space<vmem>>) target(%dma_start3A_304 : memref<512x64xf32, #tpu.memory_space<hbm>>) target_semaphore(%dma_start3A_302 : memref<!tpu.dma_semaphore, #tpu.memory_space<semaphore_mem>>)
            "tpu.trace_stop"() : () -> ()
          } else {
          }
          %and3A_245 = arith.constant true
          %and3A_246 = arith.andi %or3A_241, %and3A_245 : i1
          %add3A_247 = arith.constant 1 : i32
          %add3A_248 = arith.addi %while3A_141, %add3A_247 : i32
          %select_n3A_249 = arith.select %and3A_246, %add3A_248, %while3A_141 : i32
          %ne3A_250 = arith.cmpi ne, %add3A_151, %add3A_161 : i32
          %or3A_251 = arith.constant false
          %or3A_252 = arith.ori %or3A_251, %ne3A_250 : i1
          %not3A_253 = arith.constant true
          %not3A_254 = arith.xori %eq3A_147, %not3A_253 : i1
          %and3A_255 = arith.andi %or3A_252, %not3A_254 : i1
          %convert_element_type3A_256 = arith.extui %and3A_255 : i1 to i32
          %cond3A_257 = arith.constant 0 : i32
          %cond3A_258 = arith.cmpi ne, %convert_element_type3A_256, %cond3A_257 : i32
          scf.if %cond3A_258 {
          } else {
          }
          %and3A_259 = arith.constant false
          %and3A_260 = arith.andi %and3A_255, %and3A_259 : i1
          %ne3A_261 = arith.cmpi ne, %add3A_151, %add3A_161 : i32
          %or3A_262 = arith.constant false
          %or3A_263 = arith.ori %or3A_262, %ne3A_261 : i1
          %or3A_264 = arith.constant false
          %or3A_265 = arith.ori %or3A_263, %or3A_264 : i1
          %not3A_266 = arith.constant true
          %not3A_267 = arith.xori %eq3A_147, %not3A_266 : i1
          %and3A_268 = arith.andi %or3A_265, %not3A_267 : i1
          %convert_element_type3A_269 = arith.extui %and3A_268 : i1 to i32
          %cond3A_270 = arith.constant 0 : i32
          %cond3A_271 = arith.cmpi ne, %convert_element_type3A_269, %cond3A_270 : i32
          scf.if %cond3A_271 {
            "tpu.trace_start"() <{level = 10 : i32, message = "ep_wait_out"}> : () -> ()
            %rem3A_291 = arith.constant 2 : i32
            %rem3A_292 = arith.remui %while3A_142, %rem3A_291 : i32
            %mul3A_293 = arith.constant 512 : i32
            %mul3A_294 = arith.muli %mul3A_293, %add3A_161 : i32
            %dma_wait3A = arith.constant 0 : i32
            %dma_wait3A_295 = arith.constant 0 : i32
            %dma_wait3A_296 = tpu.memref_slice %run_scoped3A_18[%rem3A_292, %dma_wait3A, %dma_wait3A_295] : memref<2x512x64xf32, #tpu.memory_space<vmem>> -> memref<1x512x64xf32, #tpu.memory_space<vmem>>
            %dma_wait3A_297 = tpu.memref_squeeze %dma_wait3A_296 : memref<1x512x64xf32, #tpu.memory_space<vmem>> -> memref<512x64xf32, #tpu.memory_space<vmem>>
            %dma_wait3A_298 = arith.constant 0 : i32
            %dma_wait3A_299 = tpu.memref_slice %arg4[%mul3A_294, %dma_wait3A_298] : memref<204800x64xf32, #tpu.memory_space<hbm>> -> memref<512x64xf32, #tpu.memory_space<hbm>>
            %dma_wait3A_300 = tpu.memref_slice %run_scoped3A_19[%rem3A_292] : memref<2x!tpu.dma_semaphore, #tpu.memory_space<semaphore_mem>> -> memref<1x!tpu.dma_semaphore, #tpu.memory_space<semaphore_mem>>
            %dma_wait3A_301 = tpu.memref_squeeze %dma_wait3A_300 : memref<1x!tpu.dma_semaphore, #tpu.memory_space<semaphore_mem>> -> memref<!tpu.dma_semaphore, #tpu.memory_space<semaphore_mem>>
            %dma_wait3A_302 = arith.constant 0 : i32
            %dma_wait3A_303 = tpu.memref_slice %arg4[%mul3A_294, %dma_wait3A_302] : memref<204800x64xf32, #tpu.memory_space<hbm>> -> memref<512x64xf32, #tpu.memory_space<hbm>>
            %dma_wait3A_304 = arith.constant 0 : i32
            %dma_wait3A_305 = arith.constant 0 : i32
            %dma_wait3A_306 = tpu.memref_slice %run_scoped3A_18[%rem3A_292, %dma_wait3A_304, %dma_wait3A_305] : memref<2x512x64xf32, #tpu.memory_space<vmem>> -> memref<1x512x64xf32, #tpu.memory_space<vmem>>
            %dma_wait3A_307 = tpu.memref_squeeze %dma_wait3A_306 : memref<1x512x64xf32, #tpu.memory_space<vmem>> -> memref<512x64xf32, #tpu.memory_space<vmem>>
            tpu.wait_dma2 semaphore(%dma_wait3A_301 : memref<!tpu.dma_semaphore, #tpu.memory_space<semaphore_mem>>) src(%dma_wait3A_307 : memref<512x64xf32, #tpu.memory_space<vmem>>) dst(%dma_wait3A_303 : memref<512x64xf32, #tpu.memory_space<hbm>>)
            "tpu.trace_stop"() : () -> ()
          } else {
          }
          %and3A_272 = arith.constant true
          %and3A_273 = arith.andi %and3A_268, %and3A_272 : i1
          %add3A_274 = arith.constant 1 : i32
          %add3A_275 = arith.addi %while3A_142, %add3A_274 : i32
          %select_n3A_276 = arith.select %and3A_273, %add3A_275, %while3A_142 : i32
          %ne3A_277 = arith.cmpi ne, %add3A_151, %add3A_169 : i32
          %or3A_278 = arith.constant false
          %or3A_279 = arith.ori %or3A_278, %ne3A_277 : i1
          %or3A_280 = arith.ori %or3A_279, %eq3A_150 : i1
          %add3A_281 = arith.constant 1 : i32
          %add3A_282 = arith.addi %while3A_140, %add3A_281 : i32
          %select_n3A_283 = arith.select %or3A_280, %add3A_282, %while3A_140 : i32
          %add3A_284 = arith.constant 1 : i32
          %add3A_285 = arith.addi %while3A_143, %add3A_284 : i32
          %select_n3A_286 = arith.constant true
          %select_n3A_287 = arith.select %select_n3A_286, %add3A_285, %while3A_143 : i32
          %eq3A_288 = arith.cmpi eq, %select_n3A_287, %select_n3A : i32
          %select_n3A_289 = arith.constant 0 : i32
          %select_n3A_290 = arith.select %eq3A_288, %select_n3A_289, %select_n3A_287 : i32
          scf.yield %select_n3A_191, %select_n3A_283, %select_n3A_249, %select_n3A_276, %select_n3A_290 : i32, i32, i32, i32, i32
        }
        %while3A_85 = arith.constant 1 : i32
        %while3A_86:5 = scf.for %while3A_138 = %while3A_82 to %while3A_78 step %while3A_85 iter_args(%while3A_139 = %while3A_84#0, %while3A_140 = %while3A_84#1, %while3A_141 = %while3A_84#2, %while3A_142 = %while3A_84#3, %while3A_143 = %while3A_84#4) -> (i32, i32, i32, i32, i32)  : i32 {
          %mul3A_144 = arith.constant 1 : i32
          %mul3A_145 = arith.muli %mul3A_144, %select_n3A : i32
          %eq3A_146 = arith.constant 0 : i32
          %eq3A_147 = arith.cmpi eq, %while3A_138, %eq3A_146 : i32
          %sub3A_148 = arith.constant 1 : i32
          %sub3A_149 = arith.subi %mul3A_145, %sub3A_148 : i32
          %eq3A_150 = arith.cmpi eq, %while3A_138, %sub3A_149 : i32
          %add3A_151 = arith.addi %while3A_143, %select_n3A_14 : i32
          %sub3A_152 = arith.constant 1 : i32
          %sub3A_153 = arith.subi %while3A_143, %sub3A_152 : i32
          %select_n3A_154 = arith.constant true
          %select_n3A_155 = arith.select %select_n3A_154, %sub3A_153, %while3A_143 : i32
          %eq3A_156 = arith.constant -1 : i32
          %eq3A_157 = arith.cmpi eq, %select_n3A_155, %eq3A_156 : i32
          %sub3A_158 = arith.constant 1 : i32
          %sub3A_159 = arith.subi %select_n3A, %sub3A_158 : i32
          %select_n3A_160 = arith.select %eq3A_157, %sub3A_159, %select_n3A_155 : i32
          %add3A_161 = arith.addi %select_n3A_160, %select_n3A_14 : i32
          %add3A_162 = arith.constant 1 : i32
          %add3A_163 = arith.addi %while3A_143, %add3A_162 : i32
          %select_n3A_164 = arith.constant true
          %select_n3A_165 = arith.select %select_n3A_164, %add3A_163, %while3A_143 : i32
          %eq3A_166 = arith.cmpi eq, %select_n3A_165, %select_n3A : i32
          %select_n3A_167 = arith.constant 0 : i32
          %select_n3A_168 = arith.select %eq3A_166, %select_n3A_167, %select_n3A_165 : i32
          %add3A_169 = arith.addi %select_n3A_168, %select_n3A_14 : i32
          %add3A_170 = arith.constant 1 : i32
          %add3A_171 = arith.addi %select_n3A_168, %add3A_170 : i32
          %select_n3A_172 = arith.constant true
          %select_n3A_173 = arith.select %select_n3A_172, %add3A_171, %select_n3A_168 : i32
          %eq3A_174 = arith.cmpi eq, %select_n3A_173, %select_n3A : i32
          %select_n3A_175 = arith.constant 0 : i32
          %select_n3A_176 = arith.select %eq3A_174, %select_n3A_175, %select_n3A_173 : i32
          %add3A_177 = arith.addi %select_n3A_176, %select_n3A_14 : i32
          %ne3A = arith.cmpi ne, %add3A_151, %add3A_169 : i32
          %or3A = arith.constant false
          %or3A_178 = arith.ori %or3A, %ne3A : i1
          %sub3A_179 = arith.constant 2 : i32
          %sub3A_180 = arith.subi %mul3A_145, %sub3A_179 : i32
          %add3A_181 = arith.constant 1 : i32
          %add3A_182 = arith.addi %sub3A_180, %add3A_181 : i32
          %ge3A = arith.cmpi sge, %while3A_138, %add3A_182 : i32
          %not3A = arith.constant true
          %not3A_183 = arith.xori %ge3A, %not3A : i1
          %and3A = arith.andi %or3A_178, %not3A_183 : i1
          %convert_element_type3A_184 = arith.extui %and3A : i1 to i32
          %cond3A_185 = arith.constant 0 : i32
          %cond3A_186 = arith.cmpi ne, %convert_element_type3A_184, %cond3A_185 : i32
          scf.if %cond3A_186 {
            "tpu.trace_start"() <{level = 10 : i32, message = "ep_copy_in"}> : () -> ()
            %rem3A_291 = arith.constant 2 : i32
            %rem3A_292 = arith.remui %while3A_139, %rem3A_291 : i32
            %mul3A_293 = arith.constant 512 : i32
            %mul3A_294 = arith.muli %mul3A_293, %add3A_169 : i32
            %mul3A_295 = arith.constant 512 : i32
            %mul3A_296 = arith.muli %rem3A_292, %mul3A_295 : i32
            %add3A_297 = arith.constant 0 : i32
            %add3A_298 = arith.addi %mul3A_296, %add3A_297 : i32
            %dma_start3A_299 = tpu.memref_slice %run_scoped3A[%add3A_298] : memref<1024xi32, #tpu.memory_space<vmem>> -> memref<512xi32, #tpu.memory_space<vmem>>
            %dma_start3A_300 = tpu.memref_slice %arg3[%mul3A_294] : memref<204800xi32, #tpu.memory_space<hbm>> -> memref<512xi32, #tpu.memory_space<hbm>>
            %dma_start3A_301 = tpu.memref_slice %run_scoped3A_17[%rem3A_292] : memref<2x!tpu.dma_semaphore, #tpu.memory_space<semaphore_mem>> -> memref<1x!tpu.dma_semaphore, #tpu.memory_space<semaphore_mem>>
            %dma_start3A_302 = tpu.memref_squeeze %dma_start3A_301 : memref<1x!tpu.dma_semaphore, #tpu.memory_space<semaphore_mem>> -> memref<!tpu.dma_semaphore, #tpu.memory_space<semaphore_mem>>
            %dma_start3A_303 = tpu.memref_slice %run_scoped3A[%add3A_298] : memref<1024xi32, #tpu.memory_space<vmem>> -> memref<512xi32, #tpu.memory_space<vmem>>
            %dma_start3A_304 = tpu.memref_slice %arg3[%mul3A_294] : memref<204800xi32, #tpu.memory_space<hbm>> -> memref<512xi32, #tpu.memory_space<hbm>>
            tpu.enqueue_dma source(%dma_start3A_304 : memref<512xi32, #tpu.memory_space<hbm>>) target(%dma_start3A_303 : memref<512xi32, #tpu.memory_space<vmem>>) target_semaphore(%dma_start3A_302 : memref<!tpu.dma_semaphore, #tpu.memory_space<semaphore_mem>>)
            "tpu.trace_stop"() : () -> ()
          } else {
          }
          %and3A_187 = arith.constant true
          %and3A_188 = arith.andi %and3A, %and3A_187 : i1
          %add3A_189 = arith.constant 1 : i32
          %add3A_190 = arith.addi %while3A_139, %add3A_189 : i32
          %select_n3A_191 = arith.select %and3A_188, %add3A_190, %while3A_139 : i32
          %ne3A_192 = arith.cmpi ne, %add3A_151, %add3A_169 : i32
          %or3A_193 = arith.constant false
          %or3A_194 = arith.ori %or3A_193, %ne3A_192 : i1
          %or3A_195 = arith.constant false
          %or3A_196 = arith.ori %or3A_194, %or3A_195 : i1
          %sub3A_197 = arith.constant 2 : i32
          %sub3A_198 = arith.subi %mul3A_145, %sub3A_197 : i32
          %add3A_199 = arith.constant 1 : i32
          %add3A_200 = arith.addi %sub3A_198, %add3A_199 : i32
          %ge3A_201 = arith.cmpi sge, %while3A_138, %add3A_200 : i32
          %not3A_202 = arith.constant true
          %not3A_203 = arith.xori %ge3A_201, %not3A_202 : i1
          %and3A_204 = arith.andi %or3A_196, %not3A_203 : i1
          %ne3A_205 = arith.cmpi ne, %add3A_151, %add3A_161 : i32
          %or3A_206 = arith.constant false
          %or3A_207 = arith.ori %or3A_206, %ne3A_205 : i1
          %or3A_208 = arith.ori %or3A_207, %eq3A_147 : i1
          %convert_element_type3A_209 = arith.extui %or3A_208 : i1 to i32
          %cond3A_210 = arith.constant 0 : i32
          %cond3A_211 = arith.cmpi ne, %convert_element_type3A_209, %cond3A_210 : i32
          scf.if %cond3A_211 {
            "tpu.trace_start"() <{level = 10 : i32, message = "ep_wait_in"}> : () -> ()
            %mul3A_291 = arith.constant 512 : i32
            %mul3A_292 = arith.muli %mul3A_291, %add3A_151 : i32
            %rem3A_293 = arith.constant 2 : i32
            %rem3A_294 = arith.remui %while3A_140, %rem3A_293 : i32
            %mul3A_295 = arith.constant 512 : i32
            %mul3A_296 = arith.muli %rem3A_294, %mul3A_295 : i32
            %add3A_297 = arith.constant 0 : i32
            %add3A_298 = arith.addi %mul3A_296, %add3A_297 : i32
            %dma_wait3A = tpu.memref_slice %run_scoped3A[%add3A_298] : memref<1024xi32, #tpu.memory_space<vmem>> -> memref<512xi32, #tpu.memory_space<vmem>>
            %dma_wait3A_299 = tpu.memref_slice %arg3[%mul3A_292] : memref<204800xi32, #tpu.memory_space<hbm>> -> memref<512xi32, #tpu.memory_space<hbm>>
            %dma_wait3A_300 = tpu.memref_slice %run_scoped3A_17[%rem3A_294] : memref<2x!tpu.dma_semaphore, #tpu.memory_space<semaphore_mem>> -> memref<1x!tpu.dma_semaphore, #tpu.memory_space<semaphore_mem>>
            %dma_wait3A_301 = tpu.memref_squeeze %dma_wait3A_300 : memref<1x!tpu.dma_semaphore, #tpu.memory_space<semaphore_mem>> -> memref<!tpu.dma_semaphore, #tpu.memory_space<semaphore_mem>>
            %dma_wait3A_302 = tpu.memref_slice %run_scoped3A[%add3A_298] : memref<1024xi32, #tpu.memory_space<vmem>> -> memref<512xi32, #tpu.memory_space<vmem>>
            %dma_wait3A_303 = tpu.memref_slice %arg3[%mul3A_292] : memref<204800xi32, #tpu.memory_space<hbm>> -> memref<512xi32, #tpu.memory_space<hbm>>
            tpu.wait_dma2 semaphore(%dma_wait3A_301 : memref<!tpu.dma_semaphore, #tpu.memory_space<semaphore_mem>>) src(%dma_wait3A_303 : memref<512xi32, #tpu.memory_space<hbm>>) dst(%dma_wait3A_302 : memref<512xi32, #tpu.memory_space<vmem>>)
            "tpu.trace_stop"() : () -> ()
          } else {
          }
          %ne3A_212 = arith.cmpi ne, %add3A_151, %add3A_161 : i32
          %or3A_213 = arith.constant false
          %or3A_214 = arith.ori %or3A_213, %ne3A_212 : i1
          %or3A_215 = arith.constant false
          %or3A_216 = arith.ori %or3A_214, %or3A_215 : i1
          %or3A_217 = arith.ori %or3A_216, %eq3A_147 : i1
          %convert_element_type3A_218 = arith.extui %or3A_217 : i1 to i32
          %cond3A_219 = arith.constant 0 : i32
          %cond3A_220 = arith.cmpi ne, %convert_element_type3A_218, %cond3A_219 : i32
          scf.if %cond3A_220 {
          } else {
          }
          %rem3A_221 = arith.constant 2 : i32
          %rem3A_222 = arith.remui %while3A_140, %rem3A_221 : i32
          %mul3A_223 = arith.constant 512 : i32
          %mul3A_224 = arith.muli %rem3A_222, %mul3A_223 : i32
          %rem3A_225 = arith.constant 2 : i32
          %rem3A_226 = arith.remui %while3A_141, %rem3A_225 : i32
          "tpu.trace_start"() <{level = 10 : i32, message = "ep_run_kernel"}> : () -> ()
          "tpu.region"() ({
            %run_scoped3A_291 = tpu.sem_alloc : memref<!tpu.dma_semaphore, #tpu.memory_space<semaphore_mem>>
            %dma_start3A_292 = arith.constant 0 : i32
            %dma_start3A_293 = arith.constant 0 : i32
            %dma_start3A_294 = tpu.memref_slice %run_scoped3A_18[%rem3A_226, %dma_start3A_292, %dma_start3A_293] : memref<2x512x64xf32, #tpu.memory_space<vmem>> -> memref<1x512x64xf32, #tpu.memory_space<vmem>>
            %dma_start3A_295 = tpu.memref_squeeze %dma_start3A_294 : memref<1x512x64xf32, #tpu.memory_space<vmem>> -> memref<512x64xf32, #tpu.memory_space<vmem>>
            %dma_start3A_296 = tpu.memref_slice %run_scoped3A[%mul3A_224] : memref<1024xi32, #tpu.memory_space<vmem>> -> memref<512xi32, #tpu.memory_space<vmem>>
            %dma_start3A_297 = arith.constant 0 : i32
            %dma_start3A_298 = arith.constant 0 : i32
            %dma_start3A_299 = tpu.memref_slice %arg2[%dma_start3A_297, %dma_start3A_298] : memref<100000x64xf32, #tpu.memory_space<hbm>> -> memref<100000x64xf32, #tpu.memory_space<hbm>>
            tpu.enqueue_indirect_dma source(%dma_start3A_299 : memref<100000x64xf32, #tpu.memory_space<hbm>>) target(%dma_start3A_295 : memref<512x64xf32, #tpu.memory_space<vmem>>) offsets(%dma_start3A_296 : memref<512xi32, #tpu.memory_space<vmem>>) semaphore(%run_scoped3A_291 : memref<!tpu.dma_semaphore, #tpu.memory_space<semaphore_mem>>)
            %dma_wait3A = arith.constant 0 : i32
            %dma_wait3A_300 = arith.constant 0 : i32
            %dma_wait3A_301 = tpu.memref_slice %run_scoped3A_18[%rem3A_226, %dma_wait3A, %dma_wait3A_300] : memref<2x512x64xf32, #tpu.memory_space<vmem>> -> memref<1x512x64xf32, #tpu.memory_space<vmem>>
            %dma_wait3A_302 = tpu.memref_squeeze %dma_wait3A_301 : memref<1x512x64xf32, #tpu.memory_space<vmem>> -> memref<512x64xf32, #tpu.memory_space<vmem>>
            %dma_wait3A_303 = tpu.memref_slice %run_scoped3A[%mul3A_224] : memref<1024xi32, #tpu.memory_space<vmem>> -> memref<512xi32, #tpu.memory_space<vmem>>
            %dma_wait3A_304 = arith.constant 0 : i32
            %dma_wait3A_305 = arith.constant 0 : i32
            %dma_wait3A_306 = tpu.memref_slice %arg2[%dma_wait3A_304, %dma_wait3A_305] : memref<100000x64xf32, #tpu.memory_space<hbm>> -> memref<100000x64xf32, #tpu.memory_space<hbm>>
            tpu.wait_indirect_dma semaphore(%run_scoped3A_291 : memref<!tpu.dma_semaphore, #tpu.memory_space<semaphore_mem>>) src(%dma_wait3A_306 : memref<100000x64xf32, #tpu.memory_space<hbm>>) dst(%dma_wait3A_302 : memref<512x64xf32, #tpu.memory_space<vmem>>)
            tpu.yield
          }) : () -> ()
          "tpu.trace_stop"() : () -> ()
          %ne3A_227 = arith.cmpi ne, %add3A_151, %add3A_169 : i32
          %or3A_228 = arith.constant false
          %or3A_229 = arith.ori %or3A_228, %ne3A_227 : i1
          %or3A_230 = arith.ori %or3A_229, %eq3A_150 : i1
          %convert_element_type3A_231 = arith.extui %or3A_230 : i1 to i32
          %cond3A_232 = arith.constant 0 : i32
          %cond3A_233 = arith.cmpi ne, %convert_element_type3A_231, %cond3A_232 : i32
          scf.if %cond3A_233 {
          } else {
          }
          %and3A_234 = arith.constant false
          %and3A_235 = arith.andi %or3A_230, %and3A_234 : i1
          %ne3A_236 = arith.cmpi ne, %add3A_151, %add3A_169 : i32
          %or3A_237 = arith.constant false
          %or3A_238 = arith.ori %or3A_237, %ne3A_236 : i1
          %or3A_239 = arith.constant false
          %or3A_240 = arith.ori %or3A_238, %or3A_239 : i1
          %or3A_241 = arith.ori %or3A_240, %eq3A_150 : i1
          %convert_element_type3A_242 = arith.extui %or3A_241 : i1 to i32
          %cond3A_243 = arith.constant 0 : i32
          %cond3A_244 = arith.cmpi ne, %convert_element_type3A_242, %cond3A_243 : i32
          scf.if %cond3A_244 {
            "tpu.trace_start"() <{level = 10 : i32, message = "ep_copy_out"}> : () -> ()
            %rem3A_291 = arith.constant 2 : i32
            %rem3A_292 = arith.remui %while3A_141, %rem3A_291 : i32
            %mul3A_293 = arith.constant 512 : i32
            %mul3A_294 = arith.muli %mul3A_293, %add3A_151 : i32
            %dma_start3A_295 = arith.constant 0 : i32
            %dma_start3A_296 = arith.constant 0 : i32
            %dma_start3A_297 = tpu.memref_slice %run_scoped3A_18[%rem3A_292, %dma_start3A_295, %dma_start3A_296] : memref<2x512x64xf32, #tpu.memory_space<vmem>> -> memref<1x512x64xf32, #tpu.memory_space<vmem>>
            %dma_start3A_298 = tpu.memref_squeeze %dma_start3A_297 : memref<1x512x64xf32, #tpu.memory_space<vmem>> -> memref<512x64xf32, #tpu.memory_space<vmem>>
            %dma_start3A_299 = arith.constant 0 : i32
            %dma_start3A_300 = tpu.memref_slice %arg4[%mul3A_294, %dma_start3A_299] : memref<204800x64xf32, #tpu.memory_space<hbm>> -> memref<512x64xf32, #tpu.memory_space<hbm>>
            %dma_start3A_301 = tpu.memref_slice %run_scoped3A_19[%rem3A_292] : memref<2x!tpu.dma_semaphore, #tpu.memory_space<semaphore_mem>> -> memref<1x!tpu.dma_semaphore, #tpu.memory_space<semaphore_mem>>
            %dma_start3A_302 = tpu.memref_squeeze %dma_start3A_301 : memref<1x!tpu.dma_semaphore, #tpu.memory_space<semaphore_mem>> -> memref<!tpu.dma_semaphore, #tpu.memory_space<semaphore_mem>>
            %dma_start3A_303 = arith.constant 0 : i32
            %dma_start3A_304 = tpu.memref_slice %arg4[%mul3A_294, %dma_start3A_303] : memref<204800x64xf32, #tpu.memory_space<hbm>> -> memref<512x64xf32, #tpu.memory_space<hbm>>
            %dma_start3A_305 = arith.constant 0 : i32
            %dma_start3A_306 = arith.constant 0 : i32
            %dma_start3A_307 = tpu.memref_slice %run_scoped3A_18[%rem3A_292, %dma_start3A_305, %dma_start3A_306] : memref<2x512x64xf32, #tpu.memory_space<vmem>> -> memref<1x512x64xf32, #tpu.memory_space<vmem>>
            %dma_start3A_308 = tpu.memref_squeeze %dma_start3A_307 : memref<1x512x64xf32, #tpu.memory_space<vmem>> -> memref<512x64xf32, #tpu.memory_space<vmem>>
            tpu.enqueue_dma source(%dma_start3A_308 : memref<512x64xf32, #tpu.memory_space<vmem>>) target(%dma_start3A_304 : memref<512x64xf32, #tpu.memory_space<hbm>>) target_semaphore(%dma_start3A_302 : memref<!tpu.dma_semaphore, #tpu.memory_space<semaphore_mem>>)
            "tpu.trace_stop"() : () -> ()
          } else {
          }
          %and3A_245 = arith.constant true
          %and3A_246 = arith.andi %or3A_241, %and3A_245 : i1
          %add3A_247 = arith.constant 1 : i32
          %add3A_248 = arith.addi %while3A_141, %add3A_247 : i32
          %select_n3A_249 = arith.select %and3A_246, %add3A_248, %while3A_141 : i32
          %ne3A_250 = arith.cmpi ne, %add3A_151, %add3A_161 : i32
          %or3A_251 = arith.constant false
          %or3A_252 = arith.ori %or3A_251, %ne3A_250 : i1
          %not3A_253 = arith.constant true
          %not3A_254 = arith.xori %eq3A_147, %not3A_253 : i1
          %and3A_255 = arith.andi %or3A_252, %not3A_254 : i1
          %convert_element_type3A_256 = arith.extui %and3A_255 : i1 to i32
          %cond3A_257 = arith.constant 0 : i32
          %cond3A_258 = arith.cmpi ne, %convert_element_type3A_256, %cond3A_257 : i32
          scf.if %cond3A_258 {
          } else {
          }
          %and3A_259 = arith.constant false
          %and3A_260 = arith.andi %and3A_255, %and3A_259 : i1
          %ne3A_261 = arith.cmpi ne, %add3A_151, %add3A_161 : i32
          %or3A_262 = arith.constant false
          %or3A_263 = arith.ori %or3A_262, %ne3A_261 : i1
          %or3A_264 = arith.constant false
          %or3A_265 = arith.ori %or3A_263, %or3A_264 : i1
          %not3A_266 = arith.constant true
          %not3A_267 = arith.xori %eq3A_147, %not3A_266 : i1
          %and3A_268 = arith.andi %or3A_265, %not3A_267 : i1
          %convert_element_type3A_269 = arith.extui %and3A_268 : i1 to i32
          %cond3A_270 = arith.constant 0 : i32
          %cond3A_271 = arith.cmpi ne, %convert_element_type3A_269, %cond3A_270 : i32
          scf.if %cond3A_271 {
            "tpu.trace_start"() <{level = 10 : i32, message = "ep_wait_out"}> : () -> ()
            %rem3A_291 = arith.constant 2 : i32
            %rem3A_292 = arith.remui %while3A_142, %rem3A_291 : i32
            %mul3A_293 = arith.constant 512 : i32
            %mul3A_294 = arith.muli %mul3A_293, %add3A_161 : i32
            %dma_wait3A = arith.constant 0 : i32
            %dma_wait3A_295 = arith.constant 0 : i32
            %dma_wait3A_296 = tpu.memref_slice %run_scoped3A_18[%rem3A_292, %dma_wait3A, %dma_wait3A_295] : memref<2x512x64xf32, #tpu.memory_space<vmem>> -> memref<1x512x64xf32, #tpu.memory_space<vmem>>
            %dma_wait3A_297 = tpu.memref_squeeze %dma_wait3A_296 : memref<1x512x64xf32, #tpu.memory_space<vmem>> -> memref<512x64xf32, #tpu.memory_space<vmem>>
            %dma_wait3A_298 = arith.constant 0 : i32
            %dma_wait3A_299 = tpu.memref_slice %arg4[%mul3A_294, %dma_wait3A_298] : memref<204800x64xf32, #tpu.memory_space<hbm>> -> memref<512x64xf32, #tpu.memory_space<hbm>>
            %dma_wait3A_300 = tpu.memref_slice %run_scoped3A_19[%rem3A_292] : memref<2x!tpu.dma_semaphore, #tpu.memory_space<semaphore_mem>> -> memref<1x!tpu.dma_semaphore, #tpu.memory_space<semaphore_mem>>
            %dma_wait3A_301 = tpu.memref_squeeze %dma_wait3A_300 : memref<1x!tpu.dma_semaphore, #tpu.memory_space<semaphore_mem>> -> memref<!tpu.dma_semaphore, #tpu.memory_space<semaphore_mem>>
            %dma_wait3A_302 = arith.constant 0 : i32
            %dma_wait3A_303 = tpu.memref_slice %arg4[%mul3A_294, %dma_wait3A_302] : memref<204800x64xf32, #tpu.memory_space<hbm>> -> memref<512x64xf32, #tpu.memory_space<hbm>>
            %dma_wait3A_304 = arith.constant 0 : i32
            %dma_wait3A_305 = arith.constant 0 : i32
            %dma_wait3A_306 = tpu.memref_slice %run_scoped3A_18[%rem3A_292, %dma_wait3A_304, %dma_wait3A_305] : memref<2x512x64xf32, #tpu.memory_space<vmem>> -> memref<1x512x64xf32, #tpu.memory_space<vmem>>
            %dma_wait3A_307 = tpu.memref_squeeze %dma_wait3A_306 : memref<1x512x64xf32, #tpu.memory_space<vmem>> -> memref<512x64xf32, #tpu.memory_space<vmem>>
            tpu.wait_dma2 semaphore(%dma_wait3A_301 : memref<!tpu.dma_semaphore, #tpu.memory_space<semaphore_mem>>) src(%dma_wait3A_307 : memref<512x64xf32, #tpu.memory_space<vmem>>) dst(%dma_wait3A_303 : memref<512x64xf32, #tpu.memory_space<hbm>>)
            "tpu.trace_stop"() : () -> ()
          } else {
          }
          %and3A_272 = arith.constant true
          %and3A_273 = arith.andi %and3A_268, %and3A_272 : i1
          %add3A_274 = arith.constant 1 : i32
          %add3A_275 = arith.addi %while3A_142, %add3A_274 : i32
          %select_n3A_276 = arith.select %and3A_273, %add3A_275, %while3A_142 : i32
          %ne3A_277 = arith.cmpi ne, %add3A_151, %add3A_169 : i32
          %or3A_278 = arith.constant false
          %or3A_279 = arith.ori %or3A_278, %ne3A_277 : i1
          %or3A_280 = arith.ori %or3A_279, %eq3A_150 : i1
          %add3A_281 = arith.constant 1 : i32
          %add3A_282 = arith.addi %while3A_140, %add3A_281 : i32
          %select_n3A_283 = arith.select %or3A_280, %add3A_282, %while3A_140 : i32
          %add3A_284 = arith.constant 1 : i32
          %add3A_285 = arith.addi %while3A_143, %add3A_284 : i32
          %select_n3A_286 = arith.constant true
          %select_n3A_287 = arith.select %select_n3A_286, %add3A_285, %while3A_143 : i32
          %eq3A_288 = arith.cmpi eq, %select_n3A_287, %select_n3A : i32
          %select_n3A_289 = arith.constant 0 : i32
          %select_n3A_290 = arith.select %eq3A_288, %select_n3A_289, %select_n3A_287 : i32
          scf.yield %select_n3A_191, %select_n3A_283, %select_n3A_249, %select_n3A_276, %select_n3A_290 : i32, i32, i32, i32, i32
        }
        %sub3A_87 = arith.constant 1 : i32
        %sub3A_88 = arith.subi %while3A_86#4, %sub3A_87 : i32
        %select_n3A_89 = arith.constant true
        %select_n3A_90 = arith.select %select_n3A_89, %sub3A_88, %while3A_86#4 : i32
        %eq3A_91 = arith.constant -1 : i32
        %eq3A_92 = arith.cmpi eq, %select_n3A_90, %eq3A_91 : i32
        %sub3A_93 = arith.constant 1 : i32
        %sub3A_94 = arith.subi %select_n3A, %sub3A_93 : i32
        %select_n3A_95 = arith.select %eq3A_92, %sub3A_94, %select_n3A_90 : i32
        %sub3A_96 = arith.constant 1 : i32
        %sub3A_97 = arith.subi %mul3A_16, %sub3A_96 : i32
        %mul3A_98 = arith.constant 1 : i32
        %mul3A_99 = arith.muli %mul3A_98, %select_n3A : i32
        %eq3A_100 = arith.constant 0 : i32
        %eq3A_101 = arith.cmpi eq, %sub3A_97, %eq3A_100 : i32
        %sub3A_102 = arith.constant 1 : i32
        %sub3A_103 = arith.subi %mul3A_99, %sub3A_102 : i32
        %eq3A_104 = arith.cmpi eq, %sub3A_97, %sub3A_103 : i32
        %add3A_105 = arith.addi %select_n3A_95, %select_n3A_14 : i32
        %sub3A_106 = arith.constant 1 : i32
        %sub3A_107 = arith.subi %select_n3A_95, %sub3A_106 : i32
        %select_n3A_108 = arith.constant true
        %select_n3A_109 = arith.select %select_n3A_108, %sub3A_107, %select_n3A_95 : i32
        %eq3A_110 = arith.constant -1 : i32
        %eq3A_111 = arith.cmpi eq, %select_n3A_109, %eq3A_110 : i32
        %sub3A_112 = arith.constant 1 : i32
        %sub3A_113 = arith.subi %select_n3A, %sub3A_112 : i32
        %select_n3A_114 = arith.select %eq3A_111, %sub3A_113, %select_n3A_109 : i32
        %add3A_115 = arith.addi %select_n3A_114, %select_n3A_14 : i32
        %add3A_116 = arith.constant 1 : i32
        %add3A_117 = arith.addi %select_n3A_95, %add3A_116 : i32
        %select_n3A_118 = arith.constant true
        %select_n3A_119 = arith.select %select_n3A_118, %add3A_117, %select_n3A_95 : i32
        %eq3A_120 = arith.cmpi eq, %select_n3A_119, %select_n3A : i32
        %select_n3A_121 = arith.constant 0 : i32
        %select_n3A_122 = arith.select %eq3A_120, %select_n3A_121, %select_n3A_119 : i32
        %add3A_123 = arith.addi %select_n3A_122, %select_n3A_14 : i32
        %add3A_124 = arith.constant 1 : i32
        %add3A_125 = arith.addi %select_n3A_122, %add3A_124 : i32
        %select_n3A_126 = arith.constant true
        %select_n3A_127 = arith.select %select_n3A_126, %add3A_125, %select_n3A_122 : i32
        %eq3A_128 = arith.cmpi eq, %select_n3A_127, %select_n3A : i32
        %select_n3A_129 = arith.constant 0 : i32
        %select_n3A_130 = arith.select %eq3A_128, %select_n3A_129, %select_n3A_127 : i32
        %add3A_131 = arith.addi %select_n3A_130, %select_n3A_14 : i32
        %convert_element_type3A_132 = arith.extui %eq3A_104 : i1 to i32
        %cond3A_133 = arith.constant 0 : i32
        %cond3A_134 = arith.cmpi ne, %convert_element_type3A_132, %cond3A_133 : i32
        scf.if %cond3A_134 {
        } else {
        }
        %convert_element_type3A_135 = arith.extui %eq3A_104 : i1 to i32
        %cond3A_136 = arith.constant 0 : i32
        %cond3A_137 = arith.cmpi ne, %convert_element_type3A_135, %cond3A_136 : i32
        scf.if %cond3A_137 {
          "tpu.trace_start"() <{level = 10 : i32, message = "ep_finalize"}> : () -> ()
          %rem3A_138 = arith.constant 2 : i32
          %rem3A_139 = arith.remui %while3A_86#3, %rem3A_138 : i32
          %mul3A_140 = arith.constant 512 : i32
          %mul3A_141 = arith.muli %mul3A_140, %add3A_105 : i32
          %dma_wait3A = arith.constant 0 : i32
          %dma_wait3A_142 = arith.constant 0 : i32
          %dma_wait3A_143 = tpu.memref_slice %run_scoped3A_18[%rem3A_139, %dma_wait3A, %dma_wait3A_142] : memref<2x512x64xf32, #tpu.memory_space<vmem>> -> memref<1x512x64xf32, #tpu.memory_space<vmem>>
          %dma_wait3A_144 = tpu.memref_squeeze %dma_wait3A_143 : memref<1x512x64xf32, #tpu.memory_space<vmem>> -> memref<512x64xf32, #tpu.memory_space<vmem>>
          %dma_wait3A_145 = arith.constant 0 : i32
          %dma_wait3A_146 = tpu.memref_slice %arg4[%mul3A_141, %dma_wait3A_145] : memref<204800x64xf32, #tpu.memory_space<hbm>> -> memref<512x64xf32, #tpu.memory_space<hbm>>
          %dma_wait3A_147 = tpu.memref_slice %run_scoped3A_19[%rem3A_139] : memref<2x!tpu.dma_semaphore, #tpu.memory_space<semaphore_mem>> -> memref<1x!tpu.dma_semaphore, #tpu.memory_space<semaphore_mem>>
          %dma_wait3A_148 = tpu.memref_squeeze %dma_wait3A_147 : memref<1x!tpu.dma_semaphore, #tpu.memory_space<semaphore_mem>> -> memref<!tpu.dma_semaphore, #tpu.memory_space<semaphore_mem>>
          %dma_wait3A_149 = arith.constant 0 : i32
          %dma_wait3A_150 = tpu.memref_slice %arg4[%mul3A_141, %dma_wait3A_149] : memref<204800x64xf32, #tpu.memory_space<hbm>> -> memref<512x64xf32, #tpu.memory_space<hbm>>
          %dma_wait3A_151 = arith.constant 0 : i32
          %dma_wait3A_152 = arith.constant 0 : i32
          %dma_wait3A_153 = tpu.memref_slice %run_scoped3A_18[%rem3A_139, %dma_wait3A_151, %dma_wait3A_152] : memref<2x512x64xf32, #tpu.memory_space<vmem>> -> memref<1x512x64xf32, #tpu.memory_space<vmem>>
          %dma_wait3A_154 = tpu.memref_squeeze %dma_wait3A_153 : memref<1x512x64xf32, #tpu.memory_space<vmem>> -> memref<512x64xf32, #tpu.memory_space<vmem>>
          tpu.wait_dma2 semaphore(%dma_wait3A_148 : memref<!tpu.dma_semaphore, #tpu.memory_space<semaphore_mem>>) src(%dma_wait3A_154 : memref<512x64xf32, #tpu.memory_space<vmem>>) dst(%dma_wait3A_150 : memref<512x64xf32, #tpu.memory_space<hbm>>)
          "tpu.trace_stop"() : () -> ()
        } else {
        }
      } else {
      }
      tpu.yield
    }) : () -> ()
    return
  }
}

module attributes {stable_mosaic.version = 14 : i64} {
  func.func @body(%arg0: i32, %arg1: memref<512x128xf32, #tpu.memory_space<vmem>>, %arg2: memref<512x128xf32, #tpu.memory_space<vmem>>, %arg3: memref<512x128xf32, #tpu.memory_space<vmem>>, %arg4: memref<512x128xf32, #tpu.memory_space<vmem>>, %arg5: memref<512x128xf32, #tpu.memory_space<vmem>>, %arg6: memref<512x128xf32, #tpu.memory_space<vmem>>, %arg7: memref<512x128xf32, #tpu.memory_space<vmem>>, %arg8: memref<512x128xf32, #tpu.memory_space<vmem>>, %arg9: memref<512x128xf32, #tpu.memory_space<vmem>>, %arg10: memref<512x128xf32, #tpu.memory_space<vmem>>, %arg11: memref<512x128xf32, #tpu.memory_space<vmem>>, %arg12: memref<512x128xf32, #tpu.memory_space<vmem>>, %arg13: memref<512x128xf32, #tpu.memory_space<vmem>>, %arg14: memref<512x128xf32, #tpu.memory_space<vmem>>, %arg15: memref<512x128xf32, #tpu.memory_space<vmem>>, %arg16: memref<512x128xf32, #tpu.memory_space<vmem>>, %arg17: memref<512x128xf32, #tpu.memory_space<vmem>>, %arg18: memref<512x128xf32, #tpu.memory_space<vmem>>, %arg19: memref<512x128xf32, #tpu.memory_space<vmem>>, %arg20: memref<512x128xf32, #tpu.memory_space<vmem>>, %arg21: memref<512x128xf32, #tpu.memory_space<vmem>>, %arg22: memref<512x128xf32, #tpu.memory_space<vmem>>, %arg23: memref<512x128xf32, #tpu.memory_space<vmem>>, %arg24: memref<512x128xf32, #tpu.memory_space<vmem>>, %arg25: memref<512x128xf32, #tpu.memory_space<vmem>>, %arg26: memref<3200x512xf32, #tpu.memory_space<vmem>>, %arg27: memref<1x512xf32, #tpu.memory_space<vmem>>, %arg28: memref<512x256xf32, #tpu.memory_space<vmem>>, %arg29: memref<1x256xf32, #tpu.memory_space<vmem>>, %arg30: memref<512x256xf32, #tpu.memory_space<vmem>>) attributes {dimension_semantics = [#tpu.dimension_semantics<parallel>], iteration_bounds = array<i64: 8>, scalar_prefetch = 0 : i64, scratch_operands = 0 : i64, tpu.core_type = #tpu.core_type<tc>, window_params = [{transform_indices = @transform_0, window_bounds = array<i64: 512, 128>}, {transform_indices = @transform_1, window_bounds = array<i64: 512, 128>}, {transform_indices = @transform_2, window_bounds = array<i64: 512, 128>}, {transform_indices = @transform_3, window_bounds = array<i64: 512, 128>}, {transform_indices = @transform_4, window_bounds = array<i64: 512, 128>}, {transform_indices = @transform_5, window_bounds = array<i64: 512, 128>}, {transform_indices = @transform_6, window_bounds = array<i64: 512, 128>}, {transform_indices = @transform_7, window_bounds = array<i64: 512, 128>}, {transform_indices = @transform_8, window_bounds = array<i64: 512, 128>}, {transform_indices = @transform_9, window_bounds = array<i64: 512, 128>}, {transform_indices = @transform_10, window_bounds = array<i64: 512, 128>}, {transform_indices = @transform_11, window_bounds = array<i64: 512, 128>}, {transform_indices = @transform_12, window_bounds = array<i64: 512, 128>}, {transform_indices = @transform_13, window_bounds = array<i64: 512, 128>}, {transform_indices = @transform_14, window_bounds = array<i64: 512, 128>}, {transform_indices = @transform_15, window_bounds = array<i64: 512, 128>}, {transform_indices = @transform_16, window_bounds = array<i64: 512, 128>}, {transform_indices = @transform_17, window_bounds = array<i64: 512, 128>}, {transform_indices = @transform_18, window_bounds = array<i64: 512, 128>}, {transform_indices = @transform_19, window_bounds = array<i64: 512, 128>}, {transform_indices = @transform_20, window_bounds = array<i64: 512, 128>}, {transform_indices = @transform_21, window_bounds = array<i64: 512, 128>}, {transform_indices = @transform_22, window_bounds = array<i64: 512, 128>}, {transform_indices = @transform_23, window_bounds = array<i64: 512, 128>}, {transform_indices = @transform_24, window_bounds = array<i64: 512, 128>}, {pipeline_mode = #tpu.pipeline_mode<synchronous>, transform_indices = @transform_25, window_bounds = array<i64: 3200, 512>}, {pipeline_mode = #tpu.pipeline_mode<synchronous>, transform_indices = @transform_26, window_bounds = array<i64: 1, 512>}, {pipeline_mode = #tpu.pipeline_mode<synchronous>, transform_indices = @transform_27, window_bounds = array<i64: 512, 256>}, {pipeline_mode = #tpu.pipeline_mode<synchronous>, transform_indices = @transform_28, window_bounds = array<i64: 1, 256>}, {transform_indices = @transform_29, window_bounds = array<i64: 512, 256>}]} {
    %get3A = arith.constant 0 : index
    %get3A_0 = arith.constant 0 : index
    %get3A_1 = vector.load %arg1[%get3A, %get3A_0] : memref<512x128xf32, #tpu.memory_space<vmem>>, vector<512x128xf32>
    %get3A_2 = arith.constant 0 : index
    %get3A_3 = arith.constant 0 : index
    %get3A_4 = vector.load %arg2[%get3A_2, %get3A_3] : memref<512x128xf32, #tpu.memory_space<vmem>>, vector<512x128xf32>
    %get3A_5 = arith.constant 0 : index
    %get3A_6 = arith.constant 0 : index
    %get3A_7 = vector.load %arg3[%get3A_5, %get3A_6] : memref<512x128xf32, #tpu.memory_space<vmem>>, vector<512x128xf32>
    %get3A_8 = arith.constant 0 : index
    %get3A_9 = arith.constant 0 : index
    %get3A_10 = vector.load %arg4[%get3A_8, %get3A_9] : memref<512x128xf32, #tpu.memory_space<vmem>>, vector<512x128xf32>
    %get3A_11 = arith.constant 0 : index
    %get3A_12 = arith.constant 0 : index
    %get3A_13 = vector.load %arg5[%get3A_11, %get3A_12] : memref<512x128xf32, #tpu.memory_space<vmem>>, vector<512x128xf32>
    %get3A_14 = arith.constant 0 : index
    %get3A_15 = arith.constant 0 : index
    %get3A_16 = vector.load %arg6[%get3A_14, %get3A_15] : memref<512x128xf32, #tpu.memory_space<vmem>>, vector<512x128xf32>
    %get3A_17 = arith.constant 0 : index
    %get3A_18 = arith.constant 0 : index
    %get3A_19 = vector.load %arg7[%get3A_17, %get3A_18] : memref<512x128xf32, #tpu.memory_space<vmem>>, vector<512x128xf32>
    %get3A_20 = arith.constant 0 : index
    %get3A_21 = arith.constant 0 : index
    %get3A_22 = vector.load %arg8[%get3A_20, %get3A_21] : memref<512x128xf32, #tpu.memory_space<vmem>>, vector<512x128xf32>
    %get3A_23 = arith.constant 0 : index
    %get3A_24 = arith.constant 0 : index
    %get3A_25 = vector.load %arg9[%get3A_23, %get3A_24] : memref<512x128xf32, #tpu.memory_space<vmem>>, vector<512x128xf32>
    %get3A_26 = arith.constant 0 : index
    %get3A_27 = arith.constant 0 : index
    %get3A_28 = vector.load %arg10[%get3A_26, %get3A_27] : memref<512x128xf32, #tpu.memory_space<vmem>>, vector<512x128xf32>
    %get3A_29 = arith.constant 0 : index
    %get3A_30 = arith.constant 0 : index
    %get3A_31 = vector.load %arg11[%get3A_29, %get3A_30] : memref<512x128xf32, #tpu.memory_space<vmem>>, vector<512x128xf32>
    %get3A_32 = arith.constant 0 : index
    %get3A_33 = arith.constant 0 : index
    %get3A_34 = vector.load %arg12[%get3A_32, %get3A_33] : memref<512x128xf32, #tpu.memory_space<vmem>>, vector<512x128xf32>
    %get3A_35 = arith.constant 0 : index
    %get3A_36 = arith.constant 0 : index
    %get3A_37 = vector.load %arg13[%get3A_35, %get3A_36] : memref<512x128xf32, #tpu.memory_space<vmem>>, vector<512x128xf32>
    %get3A_38 = arith.constant 0 : index
    %get3A_39 = arith.constant 0 : index
    %get3A_40 = vector.load %arg14[%get3A_38, %get3A_39] : memref<512x128xf32, #tpu.memory_space<vmem>>, vector<512x128xf32>
    %get3A_41 = arith.constant 0 : index
    %get3A_42 = arith.constant 0 : index
    %get3A_43 = vector.load %arg15[%get3A_41, %get3A_42] : memref<512x128xf32, #tpu.memory_space<vmem>>, vector<512x128xf32>
    %get3A_44 = arith.constant 0 : index
    %get3A_45 = arith.constant 0 : index
    %get3A_46 = vector.load %arg16[%get3A_44, %get3A_45] : memref<512x128xf32, #tpu.memory_space<vmem>>, vector<512x128xf32>
    %get3A_47 = arith.constant 0 : index
    %get3A_48 = arith.constant 0 : index
    %get3A_49 = vector.load %arg17[%get3A_47, %get3A_48] : memref<512x128xf32, #tpu.memory_space<vmem>>, vector<512x128xf32>
    %get3A_50 = arith.constant 0 : index
    %get3A_51 = arith.constant 0 : index
    %get3A_52 = vector.load %arg18[%get3A_50, %get3A_51] : memref<512x128xf32, #tpu.memory_space<vmem>>, vector<512x128xf32>
    %get3A_53 = arith.constant 0 : index
    %get3A_54 = arith.constant 0 : index
    %get3A_55 = vector.load %arg19[%get3A_53, %get3A_54] : memref<512x128xf32, #tpu.memory_space<vmem>>, vector<512x128xf32>
    %get3A_56 = arith.constant 0 : index
    %get3A_57 = arith.constant 0 : index
    %get3A_58 = vector.load %arg20[%get3A_56, %get3A_57] : memref<512x128xf32, #tpu.memory_space<vmem>>, vector<512x128xf32>
    %get3A_59 = arith.constant 0 : index
    %get3A_60 = arith.constant 0 : index
    %get3A_61 = vector.load %arg21[%get3A_59, %get3A_60] : memref<512x128xf32, #tpu.memory_space<vmem>>, vector<512x128xf32>
    %get3A_62 = arith.constant 0 : index
    %get3A_63 = arith.constant 0 : index
    %get3A_64 = vector.load %arg22[%get3A_62, %get3A_63] : memref<512x128xf32, #tpu.memory_space<vmem>>, vector<512x128xf32>
    %get3A_65 = arith.constant 0 : index
    %get3A_66 = arith.constant 0 : index
    %get3A_67 = vector.load %arg23[%get3A_65, %get3A_66] : memref<512x128xf32, #tpu.memory_space<vmem>>, vector<512x128xf32>
    %get3A_68 = arith.constant 0 : index
    %get3A_69 = arith.constant 0 : index
    %get3A_70 = vector.load %arg24[%get3A_68, %get3A_69] : memref<512x128xf32, #tpu.memory_space<vmem>>, vector<512x128xf32>
    %get3A_71 = arith.constant 0 : index
    %get3A_72 = arith.constant 0 : index
    %get3A_73 = vector.load %arg25[%get3A_71, %get3A_72] : memref<512x128xf32, #tpu.memory_space<vmem>>, vector<512x128xf32>
    %concatenate3A = tpu.concatenate %get3A_1, %get3A_4, %get3A_7, %get3A_10, %get3A_13, %get3A_16, %get3A_19, %get3A_22, %get3A_25, %get3A_28, %get3A_31, %get3A_34, %get3A_37, %get3A_40, %get3A_43, %get3A_46, %get3A_49, %get3A_52, %get3A_55, %get3A_58, %get3A_61, %get3A_64, %get3A_67, %get3A_70, %get3A_73 in 1 : vector<512x128xf32>, vector<512x128xf32>, vector<512x128xf32>, vector<512x128xf32>, vector<512x128xf32>, vector<512x128xf32>, vector<512x128xf32>, vector<512x128xf32>, vector<512x128xf32>, vector<512x128xf32>, vector<512x128xf32>, vector<512x128xf32>, vector<512x128xf32>, vector<512x128xf32>, vector<512x128xf32>, vector<512x128xf32>, vector<512x128xf32>, vector<512x128xf32>, vector<512x128xf32>, vector<512x128xf32>, vector<512x128xf32>, vector<512x128xf32>, vector<512x128xf32>, vector<512x128xf32>, vector<512x128xf32> -> vector<512x3200xf32>
    %convert_element_type3A = arith.truncf %concatenate3A : vector<512x3200xf32> to vector<512x3200xbf16>
    %get3A_74 = arith.constant 0 : index
    %get3A_75 = arith.constant 0 : index
    %get3A_76 = vector.load %arg26[%get3A_74, %get3A_75] : memref<3200x512xf32, #tpu.memory_space<vmem>>, vector<3200x512xf32>
    %convert_element_type3A_77 = arith.truncf %get3A_76 : vector<3200x512xf32> to vector<3200x512xbf16>
    %dot_general3A = arith.constant dense<0.000000e+00> : vector<512x512xf32>
    %dot_general3A_78 = tpu.matmul %convert_element_type3A, %convert_element_type3A_77, %dot_general3A {dimension_numbers = #tpu.dot_dimension_numbers<[1], [0], [0], [1], [0, 0, 1, 1], [], []>, transpose_lhs_hint = false} : vector<512x3200xbf16>, vector<3200x512xbf16>, vector<512x512xf32> -> vector<512x512xf32>
    %get3A_79 = arith.constant 0 : index
    %get3A_80 = arith.constant 0 : index
    %get3A_81 = vector.load %arg27[%get3A_79, %get3A_80] : memref<1x512xf32, #tpu.memory_space<vmem>>, vector<1x512xf32>
    %add3A = vector.broadcast %get3A_81 : vector<1x512xf32> to vector<512x512xf32>
    %add3A_82 = arith.addf %dot_general3A_78, %add3A : vector<512x512xf32>
    %max3A = arith.constant 0.000000e+00 : f32
    %max3A_83 = vector.broadcast %max3A : f32 to vector<512x512xf32>
    %max3A_84 = arith.maximumf %add3A_82, %max3A_83 : vector<512x512xf32>
    %convert_element_type3A_85 = arith.truncf %max3A_84 : vector<512x512xf32> to vector<512x512xbf16>
    %get3A_86 = arith.constant 0 : index
    %get3A_87 = arith.constant 0 : index
    %get3A_88 = vector.load %arg28[%get3A_86, %get3A_87] : memref<512x256xf32, #tpu.memory_space<vmem>>, vector<512x256xf32>
    %convert_element_type3A_89 = arith.truncf %get3A_88 : vector<512x256xf32> to vector<512x256xbf16>
    %dot_general3A_90 = arith.constant dense<0.000000e+00> : vector<512x256xf32>
    %dot_general3A_91 = tpu.matmul %convert_element_type3A_85, %convert_element_type3A_89, %dot_general3A_90 {dimension_numbers = #tpu.dot_dimension_numbers<[1], [0], [0], [1], [0, 0, 1, 1], [], []>, transpose_lhs_hint = false} : vector<512x512xbf16>, vector<512x256xbf16>, vector<512x256xf32> -> vector<512x256xf32>
    %get3A_92 = arith.constant 0 : index
    %get3A_93 = arith.constant 0 : index
    %get3A_94 = vector.load %arg29[%get3A_92, %get3A_93] : memref<1x256xf32, #tpu.memory_space<vmem>>, vector<1x256xf32>
    %add3A_95 = vector.broadcast %get3A_94 : vector<1x256xf32> to vector<512x256xf32>
    %add3A_96 = arith.addf %dot_general3A_91, %add3A_95 : vector<512x256xf32>
    %max3A_97 = arith.constant 0.000000e+00 : f32
    %max3A_98 = vector.broadcast %max3A_97 : f32 to vector<512x256xf32>
    %max3A_99 = arith.maximumf %add3A_96, %max3A_98 : vector<512x256xf32>
    %swap3A = arith.constant 0 : index
    %swap3A_100 = arith.constant 0 : index
    %swap3A_101 = vector.load %arg30[%swap3A, %swap3A_100] : memref<512x256xf32, #tpu.memory_space<vmem>>, vector<512x256xf32>
    tpu.vector_store %arg30[%swap3A, %swap3A_100], %max3A_99 {strides = array<i32>} : memref<512x256xf32, #tpu.memory_space<vmem>>, vector<512x256xf32>,
    return
  }
  func.func @transform_0(%arg0: i32) -> (i32, i32) {
    %add3A = arith.constant 0 : i32
    %add3A_0 = arith.addi %add3A, %arg0 : i32
    %c0_i32 = arith.constant 0 : i32
    %c0_i32_1 = arith.constant 0 : i32
    return %add3A_0, %c0_i32 : i32, i32
  }
  func.func @transform_1(%arg0: i32) -> (i32, i32) {
    %add3A = arith.constant 8 : i32
    %add3A_0 = arith.addi %add3A, %arg0 : i32
    %c0_i32 = arith.constant 0 : i32
    %c0_i32_1 = arith.constant 0 : i32
    return %add3A_0, %c0_i32 : i32, i32
  }
  func.func @transform_2(%arg0: i32) -> (i32, i32) {
    %add3A = arith.constant 16 : i32
    %add3A_0 = arith.addi %add3A, %arg0 : i32
    %c0_i32 = arith.constant 0 : i32
    %c0_i32_1 = arith.constant 0 : i32
    return %add3A_0, %c0_i32 : i32, i32
  }
  func.func @transform_3(%arg0: i32) -> (i32, i32) {
    %add3A = arith.constant 24 : i32
    %add3A_0 = arith.addi %add3A, %arg0 : i32
    %c0_i32 = arith.constant 0 : i32
    %c0_i32_1 = arith.constant 0 : i32
    return %add3A_0, %c0_i32 : i32, i32
  }
  func.func @transform_4(%arg0: i32) -> (i32, i32) {
    %add3A = arith.constant 32 : i32
    %add3A_0 = arith.addi %add3A, %arg0 : i32
    %c0_i32 = arith.constant 0 : i32
    %c0_i32_1 = arith.constant 0 : i32
    return %add3A_0, %c0_i32 : i32, i32
  }
  func.func @transform_5(%arg0: i32) -> (i32, i32) {
    %add3A = arith.constant 40 : i32
    %add3A_0 = arith.addi %add3A, %arg0 : i32
    %c0_i32 = arith.constant 0 : i32
    %c0_i32_1 = arith.constant 0 : i32
    return %add3A_0, %c0_i32 : i32, i32
  }
  func.func @transform_6(%arg0: i32) -> (i32, i32) {
    %add3A = arith.constant 48 : i32
    %add3A_0 = arith.addi %add3A, %arg0 : i32
    %c0_i32 = arith.constant 0 : i32
    %c0_i32_1 = arith.constant 0 : i32
    return %add3A_0, %c0_i32 : i32, i32
  }
  func.func @transform_7(%arg0: i32) -> (i32, i32) {
    %add3A = arith.constant 56 : i32
    %add3A_0 = arith.addi %add3A, %arg0 : i32
    %c0_i32 = arith.constant 0 : i32
    %c0_i32_1 = arith.constant 0 : i32
    return %add3A_0, %c0_i32 : i32, i32
  }
  func.func @transform_8(%arg0: i32) -> (i32, i32) {
    %add3A = arith.constant 64 : i32
    %add3A_0 = arith.addi %add3A, %arg0 : i32
    %c0_i32 = arith.constant 0 : i32
    %c0_i32_1 = arith.constant 0 : i32
    return %add3A_0, %c0_i32 : i32, i32
  }
  func.func @transform_9(%arg0: i32) -> (i32, i32) {
    %add3A = arith.constant 72 : i32
    %add3A_0 = arith.addi %add3A, %arg0 : i32
    %c0_i32 = arith.constant 0 : i32
    %c0_i32_1 = arith.constant 0 : i32
    return %add3A_0, %c0_i32 : i32, i32
  }
  func.func @transform_10(%arg0: i32) -> (i32, i32) {
    %add3A = arith.constant 80 : i32
    %add3A_0 = arith.addi %add3A, %arg0 : i32
    %c0_i32 = arith.constant 0 : i32
    %c0_i32_1 = arith.constant 0 : i32
    return %add3A_0, %c0_i32 : i32, i32
  }
  func.func @transform_11(%arg0: i32) -> (i32, i32) {
    %add3A = arith.constant 88 : i32
    %add3A_0 = arith.addi %add3A, %arg0 : i32
    %c0_i32 = arith.constant 0 : i32
    %c0_i32_1 = arith.constant 0 : i32
    return %add3A_0, %c0_i32 : i32, i32
  }
  func.func @transform_12(%arg0: i32) -> (i32, i32) {
    %add3A = arith.constant 96 : i32
    %add3A_0 = arith.addi %add3A, %arg0 : i32
    %c0_i32 = arith.constant 0 : i32
    %c0_i32_1 = arith.constant 0 : i32
    return %add3A_0, %c0_i32 : i32, i32
  }
  func.func @transform_13(%arg0: i32) -> (i32, i32) {
    %add3A = arith.constant 104 : i32
    %add3A_0 = arith.addi %add3A, %arg0 : i32
    %c0_i32 = arith.constant 0 : i32
    %c0_i32_1 = arith.constant 0 : i32
    return %add3A_0, %c0_i32 : i32, i32
  }
  func.func @transform_14(%arg0: i32) -> (i32, i32) {
    %add3A = arith.constant 112 : i32
    %add3A_0 = arith.addi %add3A, %arg0 : i32
    %c0_i32 = arith.constant 0 : i32
    %c0_i32_1 = arith.constant 0 : i32
    return %add3A_0, %c0_i32 : i32, i32
  }
  func.func @transform_15(%arg0: i32) -> (i32, i32) {
    %add3A = arith.constant 120 : i32
    %add3A_0 = arith.addi %add3A, %arg0 : i32
    %c0_i32 = arith.constant 0 : i32
    %c0_i32_1 = arith.constant 0 : i32
    return %add3A_0, %c0_i32 : i32, i32
  }
  func.func @transform_16(%arg0: i32) -> (i32, i32) {
    %add3A = arith.constant 128 : i32
    %add3A_0 = arith.addi %add3A, %arg0 : i32
    %c0_i32 = arith.constant 0 : i32
    %c0_i32_1 = arith.constant 0 : i32
    return %add3A_0, %c0_i32 : i32, i32
  }
  func.func @transform_17(%arg0: i32) -> (i32, i32) {
    %add3A = arith.constant 136 : i32
    %add3A_0 = arith.addi %add3A, %arg0 : i32
    %c0_i32 = arith.constant 0 : i32
    %c0_i32_1 = arith.constant 0 : i32
    return %add3A_0, %c0_i32 : i32, i32
  }
  func.func @transform_18(%arg0: i32) -> (i32, i32) {
    %add3A = arith.constant 144 : i32
    %add3A_0 = arith.addi %add3A, %arg0 : i32
    %c0_i32 = arith.constant 0 : i32
    %c0_i32_1 = arith.constant 0 : i32
    return %add3A_0, %c0_i32 : i32, i32
  }
  func.func @transform_19(%arg0: i32) -> (i32, i32) {
    %add3A = arith.constant 152 : i32
    %add3A_0 = arith.addi %add3A, %arg0 : i32
    %c0_i32 = arith.constant 0 : i32
    %c0_i32_1 = arith.constant 0 : i32
    return %add3A_0, %c0_i32 : i32, i32
  }
  func.func @transform_20(%arg0: i32) -> (i32, i32) {
    %add3A = arith.constant 160 : i32
    %add3A_0 = arith.addi %add3A, %arg0 : i32
    %c0_i32 = arith.constant 0 : i32
    %c0_i32_1 = arith.constant 0 : i32
    return %add3A_0, %c0_i32 : i32, i32
  }
  func.func @transform_21(%arg0: i32) -> (i32, i32) {
    %add3A = arith.constant 168 : i32
    %add3A_0 = arith.addi %add3A, %arg0 : i32
    %c0_i32 = arith.constant 0 : i32
    %c0_i32_1 = arith.constant 0 : i32
    return %add3A_0, %c0_i32 : i32, i32
  }
  func.func @transform_22(%arg0: i32) -> (i32, i32) {
    %add3A = arith.constant 176 : i32
    %add3A_0 = arith.addi %add3A, %arg0 : i32
    %c0_i32 = arith.constant 0 : i32
    %c0_i32_1 = arith.constant 0 : i32
    return %add3A_0, %c0_i32 : i32, i32
  }
  func.func @transform_23(%arg0: i32) -> (i32, i32) {
    %add3A = arith.constant 184 : i32
    %add3A_0 = arith.addi %add3A, %arg0 : i32
    %c0_i32 = arith.constant 0 : i32
    %c0_i32_1 = arith.constant 0 : i32
    return %add3A_0, %c0_i32 : i32, i32
  }
  func.func @transform_24(%arg0: i32) -> (i32, i32) {
    %add3A = arith.constant 192 : i32
    %add3A_0 = arith.addi %add3A, %arg0 : i32
    %c0_i32 = arith.constant 0 : i32
    %c0_i32_1 = arith.constant 0 : i32
    return %add3A_0, %c0_i32 : i32, i32
  }
  func.func @transform_25(%arg0: i32) -> (i32, i32) {
    %c0_i32 = arith.constant 0 : i32
    %c0_i32_0 = arith.constant 0 : i32
    %c0_i32_1 = arith.constant 0 : i32
    return %c0_i32, %c0_i32_0 : i32, i32
  }
  func.func @transform_26(%arg0: i32) -> (i32, i32) {
    %c0_i32 = arith.constant 0 : i32
    %c0_i32_0 = arith.constant 0 : i32
    %c0_i32_1 = arith.constant 0 : i32
    return %c0_i32, %c0_i32_0 : i32, i32
  }
  func.func @transform_27(%arg0: i32) -> (i32, i32) {
    %c0_i32 = arith.constant 0 : i32
    %c0_i32_0 = arith.constant 0 : i32
    %c0_i32_1 = arith.constant 0 : i32
    return %c0_i32, %c0_i32_0 : i32, i32
  }
  func.func @transform_28(%arg0: i32) -> (i32, i32) {
    %c0_i32 = arith.constant 0 : i32
    %c0_i32_0 = arith.constant 0 : i32
    %c0_i32_1 = arith.constant 0 : i32
    return %c0_i32, %c0_i32_0 : i32, i32
  }
  func.func @transform_29(%arg0: i32) -> (i32, i32) {
    %c0_i32 = arith.constant 0 : i32
    %c0_i32_0 = arith.constant 0 : i32
    return %arg0, %c0_i32 : i32, i32
  }
}

</mosaic_0001>

<sc_bundles>
// kernel: kernel.4.cloned.1.call-start
scs
__scs_entry_jumppad:
0x0: {  	(pc) =	sbr.rel $0x88, $3  }
0x1: {  	(tag) =	ssettag $0x0;
	lr =	simm.s32 $0x1  }
0x2: {  	[smem:$0x3F9B] =	sst lr;
	_ =	strace $0xD0000000  }
0x3: {  	_ = 	snop  }
0x4: {  	_ = 	snop  }
0x5: {  	_ = 	snop  }
0x6: {  	_ = 	snop  }
0x7: {  	_ = 	snop  }
__scs_overlays_trampoline_lowered:
0x8: {  	[smem:$0x3FAA] =	sst s0  }
0x9: {  	[smem:$0x3FAB] =	sst s1  }
0xa: {  	[smem:$0x3FAC] =	sst s2  }
0xb: {  	[smem:$0x3FAD] =	sst s3  }
0xc: {  	[smem:$0x3FAE] =	sst s4  }
0xd: {  	[smem:$0x3FAF] =	sst s5  }
0xe: {  	[smem:$0x3FB0] =	sst s6  }
0xf: {  	[smem:$0x3FB1] =	sst s7  }
0x10: {  	[smem:$0x3FB2] =	sst s8  }
0x11: {  	[smem:$0x3FB3] =	sst s9;
	s0 =	simm.s32 @!p0 $0x0  }
0x12: {  	s1 =	sld [smem:$0x3F99];
	s0 =	simm.s32 @p0 $0x1  }
0x13: {  	[smem:$0x3FB4] =	sst s0;
	s0 =	simm.s32 @!p1 $0x0  }
0x14: {  	s2 =	sld [smem:$0x3F98];
	s0 =	simm.s32 @p1 $0x1  }
0x15: {  	[smem:$0x3FB5] =	sst s0;
	s0 =	simm.s32 @!p2 $0x0  }
0x16: {  	s3 =	sld [smem:$0x3FDB];
	s0 =	simm.s32 @p2 $0x1  }
0x17: {  	s4 =	simm.s32 $0x1BF5;
	[smem:$0x3FB7] =	sst s0  }
0x18: {  	s0 =	sld [smem:$0x3F9A];
	_ =	swait.ge [sflag:s4], $0x0  }
0x19: {  	s7 =	sld [smem:$0x3F9B]  }
0x1a: {  	s8 =	sadd.s32 $0xFFFFE003, lr  }
0x1b: {  	s9 =	sadd.s32 $0xFFFFFEF7, lr;
	s5 =	simm.s32 $0xFFFFFFFF;
	p2 =	slt.u32 s8, $0xFFFFF086  }
0x1c: {  	p1 =	slt.u32 s9, $0xF7A;
	s5 =	simm.s32 @!p2 $0x0  }
0x1d: {  	s5 =	simm.s32 @p1 $0x1;
	p0 =	seq.s32 s7, s2  }
0x1e: {  	s7 =	smul.u32 @!p0 $0xF7A, s2;
	p2 =	seq.s32 @!p0 s5, $0x0  }
0x1f: {  	s9 =	smul.u32 $0xF7A, s1;
	s8 =	simm.s32 @!p0 $0x1BF5;
	p2 =	por !p2, p0  }
0x20: {  	[sflag:s8] =	ssyncset.s32 @!p0 $0xFFFFF086;
	s6 =	sadd.s32 @!p0 s3, s7;
	s7 =	simm.s32 @!p0 $0x108  }
0x21: {  	s3 =	sadd.s32 s3, s9;
	s6 =	sadd.s32 @!p0 $0x88, s6;
	s7 =	simm.s32 @p2 $0x1082  }
0x22: {  	[simem:s7], [sflag:s8] =	dma.local @!p0 [hbm:s6], $0xF7A  }
0x23: {  	s9 =	sor.u32 $0xD0000000, s2;
	s6 =	simm.s32 $0x108;
	_ =	swait.ge @!p0 [sflag:s8], $0x0  }
0x24: {  	s3 =	sadd.s32 $0x88, s3;
	s6 =	simm.s32 @!p1 $0x1082;
	[sflag:s4] =	ssyncset.s32 $0xFFFFF086  }
0x25: {  	[simem:s6], [sflag:s4] =	dma.local [hbm:s3], $0xF7A  }
0x26: {  	[smem:$0x3F9B] =	sst s1;
	(tag) =	ssettag s2;
	_ =	strace s9  }
0x27: {  	s1 =	sld [smem:$0x3FAB]  }
0x28: {  	s2 =	sld [smem:$0x3FAC]  }
0x29: {  	s4 =	sld [smem:$0x3FAE]  }
0x2a: {  	p0 =	seq.s32 s5, $0x0;
	s5 =	sld [smem:$0x3FAF]  }
0x2b: {  	s6 =	sld [smem:$0x3FB0]  }
0x2c: {  	s7 =	sld [smem:$0x3FB1]  }
0x2d: {  	s3 =	simm.s32 $0x108;
	s8 =	sld [smem:$0x3FB2]  }
0x2e: {  	s3 =	simm.s32 @!p0 $0x1082;
	s9 =	sld [smem:$0x3FB3]  }
0x2f: {  	lr =	sadd.s32 s0, s3;
	s0 =	sld [smem:$0x3FAA]  }
0x30: {  	s3 =	sld [smem:$0x3FAD]  }
0x31: {  	[smem:$0x3FB6] =	sst s10  }
0x32: {  	s10 =	sld [smem:$0x3FB4];
	_ =	sdelay $0x3  }
0x33: {  	p0 =	seq.s32 s10, $0x1;
	s10 =	sld [smem:$0x3FB6];
	_ =	sdelay $0x3  }
0x34: {  	[smem:$0x3FB6] =	sst s10  }
0x35: {  	s10 =	sld [smem:$0x3FB5];
	_ =	sdelay $0x3  }
0x36: {  	p1 =	seq.s32 s10, $0x1;
	s10 =	sld [smem:$0x3FB6];
	_ =	sdelay $0x3  }
0x37: {  	[smem:$0x3FB6] =	sst s10  }
0x38: {  	s10 =	sld [smem:$0x3FB7]  }
0x39: {  	_ = 	snop;
	(pc) =	sbr.ind lr, $3  }
0x3a: {  	_ = 	snop  }
0x3b: {  	_ = 	snop  }
0x3c: {  	p2 =	seq.s32 s10, $0x1;
	s10 =	sld [smem:$0x3FB6]  }
0x3d: {  	_ =	shalt  }
0x3e: {  	_ =	shalt  }
0x3f: {  	_ =	shalt  }
0x40: {  	_ =	shalt  }
0x41: {  	_ =	shalt  }
0x42: {  	_ =	shalt  }
0x43: {  	_ =	shalt  }
0x44: {  	_ =	shalt  }
0x45: {  	_ =	shalt  }
0x46: {  	_ =	shalt  }
0x47: {  	_ =	shalt  }
0x48: {  	_ =	shalt  }
0x49: {  	_ =	shalt  }
0x4a: {  	_ =	shalt  }
0x4b: {  	_ =	shalt  }
0x4c: {  	_ =	shalt  }
0x4d: {  	_ =	shalt  }
0x4e: {  	_ =	shalt  }
0x4f: {  	_ =	shalt  }
0x50: {  	_ =	shalt  }
0x51: {  	_ =	shalt  }
0x52: {  	_ =	shalt  }
0x53: {  	_ =	shalt  }
0x54: {  	_ =	shalt  }
0x55: {  	_ =	shalt  }
0x56: {  	_ =	shalt  }
0x57: {  	_ =	shalt  }
0x58: {  	_ =	shalt  }
0x59: {  	_ =	shalt  }
0x5a: {  	_ =	shalt  }
0x5b: {  	_ =	shalt  }
0x5c: {  	_ =	shalt  }
0x5d: {  	_ =	shalt  }
0x5e: {  	_ =	shalt  }
0x5f: {  	_ =	shalt  }
0x60: {  	_ =	shalt  }
0x61: {  	_ =	shalt  }
0x62: {  	_ =	shalt  }
0x63: {  	_ =	shalt  }
0x64: {  	_ =	shalt  }
0x65: {  	_ =	shalt  }
0x66: {  	_ =	shalt  }
0x67: {  	_ =	shalt  }
0x68: {  	_ =	shalt  }
0x69: {  	_ =	shalt  }
0x6a: {  	_ =	shalt  }
0x6b: {  	_ =	shalt  }
0x6c: {  	_ =	shalt  }
0x6d: {  	_ =	shalt  }
0x6e: {  	_ =	shalt  }
0x6f: {  	_ =	shalt  }
0x70: {  	_ =	shalt  }
0x71: {  	_ =	shalt  }
0x72: {  	_ =	shalt  }
0x73: {  	_ =	shalt  }
0x74: {  	_ =	shalt  }
0x75: {  	_ =	shalt  }
0x76: {  	_ =	shalt  }
0x77: {  	_ =	shalt  }
0x78: {  	_ =	shalt  }
0x79: {  	_ =	shalt  }
0x7a: {  	_ =	shalt  }
0x7b: {  	_ =	shalt  }
0x7c: {  	_ =	shalt  }
0x7d: {  	_ =	shalt  }
0x7e: {  	_ =	shalt  }
0x7f: {  	_ =	shalt  }
0x80: {  	_ =	shalt  }
0x81: {  	_ =	shalt  }
0x82: {  	_ =	shalt  }
0x83: {  	_ =	shalt  }
0x84: {  	_ =	shalt  }
0x85: {  	_ =	shalt  }
0x86: {  	_ =	shalt  }
0x87: {  	_ =	shalt  }
.Lfunc_end0:
.L_simem_size_0:
called_computation_lowered:
.L_overlay_start_0:
0x88: {  	s2 =	sld [smem:$0x3FD9]  }
0x89: {  	s3 =	sld [smem:$0x3FFE];
	_ =	sdelay $0x1  }
0x8a: {  	s1 =	srdreg.scid  }
0x8b: {  	s0 =	sand.u32 $0x1, s1  }
0x8c: {  	s17 =	sshll.u32 s0, $0xA;
	s2 =	sadd.s32 s3, s2  }
0x8d: {  	s2 =	sadd.s32 s2, s17  }
0x8e: {  	[smem:$0x3FC2] =	sst s2  }
0x8f: {  	_ = 	snop  }
0x90: {  	s2 =	sld [smem:$0x3FD0];
	(tm) =	ssettm $0x1  }
0x91: {  	s18 =	sld [smem:$0x3FFB];
	_ =	sdelay $0x3  }
0x92: {  	_ =	strace s18  }
0x93: {  	s3 =	sld [smem:$0x3FFC];
	_ =	sdelay $0x3  }
0x94: {  	_ =	strace s3  }
0x95: {  	s3 =	sld [smem:$0x3FFD];
	_ =	sdelay $0x3  }
0x96: {  	_ =	strace s3  }
0x97: {  	_ =	strace $0x8FFFFFFF  }
0x98: {  	s19 =	sld [smem:$0x3FDB];
	_ =	sdelay $0x1  }
0x99: {  	s4 =	simm.s32 $_scs_section_size  }
0x9a: {  	s5 =	simm.s32 $_size__tile_overlayer_lowered;
	s6 =	simm.s32 $_tile_overlayer_lowered  }
0x9b: {  	s22 =	simm.s32 $0x1BFF;
	s21 =	sshll.u32 s6, $0x1;
	s3 =	sadd.s32 s4, s19  }
0x9c: {  	s7 =	simm.s32 $0x0;
	s20 =	sshll.u32 s5, $0x1;
	s5 =	sadd.s32 s21, s3  }
0x9d: {  	[timem:s7], [sflag:s22] =	dma.local [hbm:s5], s20  }
0x9e: {  	_ =	swait.ge [sflag:s22], s20  }
0x9f: {  	s4 =	ssub.s32 $0x0, s20;
	[sflag:s22] =	ssyncset.done $0x0  }
0xa0: {  	[sflag:s22] =	ssyncadd.s32 s4;
	_ =	sdelay $0x1  }
0xa1: {  	s23 =	simm.s32 $0x1B8B  }
0xa2: {  	_ =	swait.ge [sflag:s23], $0x1  }
0xa3: {  	[sflag:s23] =	ssyncset.done $0x0  }
0xa4: {  	s25 =	simm.s32 $0x1B8E;
	s24 =	sld [smem:$0x3FFE];
	[sflag:s23] =	ssyncadd.s32 $0xFFFFFFFF  }
0xa5: {  	s26 =	simm.s32 $execute0_lowered;
	[smem:$0x3FD2] =	sst s25  }
0xa6: {  	s5 =	sshll.u32 s26, $0x1;
	_ =	strace $0x80000046;
	[dreg:$0x1] =	wrdreg $0xFFFFFFFF  }
0xa7: {  	s28 =	simm.s32 $_size_execute0_lowered;
	s3 =	sadd.s32 s3, s5;
	[dreg:$0x0] =	wrdreg $0x0  }
0xa8: {  	s5 =	sshll.u32 s28, $0x1;
	[dreg:$0x2] =	wrdreg s3  }
0xa9: {  	[dreg:$0x3] =	wrdreg s5  }
0xaa: {  	[dreg:$0x4] =	wrdreg $0xC0  }
0xab: {  	_ =	task [dreg:s7], $0x5FFFF  }
0xac: {  	[dreg:$0x1] =	wrdreg $0xFFFFFFFF  }
0xad: {  	[dreg:$0x0] =	wrdreg $0x60  }
0xae: {  	[dreg:$0x2] =	wrdreg s24  }
0xaf: {  	[dreg:$0x3] =	wrdreg s2  }
0xb0: {  	[dreg:$0x4] =	wrdreg $0x9  }
0xb1: {  	_ =	task.clear_ibuf [dreg:s7], $0x5FFFF;
	_ =	strace $0x90000046  }
0xb2: {  	s29 =	simm.s32 $0x9;
	_ =	strace $0x8000004F  }
0xb3: {  	_ =	swait.ge [sflag:s29], $0x1  }
0xb4: {  	[sflag:s29] =	ssyncadd.s32 $0xFFFFFFFF  }
0xb5: {  	_ =	strace $0x9000004F  }
0xb6: {  	_ =	sfence  }
0xb7: {  	s30 =	sld [smem:$0x0];
	_ =	sdelay $0x2  }
0xb8: {  	s31 =	sshll.u32 s1, $0xD;
	s1 =	sshrl.u32 s1, $0x2  }
0xb9: {  	s3 =	sand.u32 $0x4000, s31;
	s1 =	sadd.s32 s1, s30  }
0xba: {  	s0 =	sor.u32 s3, s0;
	s1 =	sshll.u32 s1, $0x11  }
0xbb: {  	s0 =	sor.u32 s1, s0  }
0xbc: {  	s0 =	sadd.s32 $0x8F2B, s0  }
0xbd: {  	[sflag:s0] =	ssyncadd.remote.s32 $0x1  }
0xbe: {  	_ =	sfence.sel $0xFFFF  }
0xbf: {  	[dreg:$0x0] =	wrdreg $0xFFFFFFFF;
	(pc) =	sbr.abs _section_cstart, $3  }
0xc0: {  	[dreg:$0x1] =	wrdreg $0xFFFFFFFF  }
0xc1: {  	_ =	task.clear_ibuf [dreg:s7], $0x2FFFF;
	_ =	strace $0x9FFFFFFF  }
0xc2: {  	(tm) =	ssettm $0x7FFFFFFF  }
0xc3: {  	_ =	shalt  }
tec
execute0_lowered:
.L_overlay_start_1:
0x0: {  	(tag) =	ssettag $0x1  }
0x1: {  	s0 =	srdreg.scid;
	s5 =	rddreg [dreg:$0x0]  }
0x2: {  	s2 =	rddreg [dreg:$0x1];
	s1 =	stileid.u32  }
0x3: {  	s3 =	simm.s32 $0x0;
	s10 =	simm.s32 $0x200;
	s7 =	sand.u32 $0x1, s0  }
0x4: {  	s11 =	simm.s32 $0x0;
	[smem:$0x7FF] =	sst s3;
	s4 =	sshll.u32 s7, $0x4  }
0x5: {  	s9 =	sadd.s32 $0x187C00, s5;
	s5 =	sadd.s32 $0x24B200, s5;
	s4 =	sor.u32 s1, s4  }
0x6: {  	s0 =	rddreg [dreg:$0x2];
	_ =	strace $0x80000047;
	s6 =	smul.u32 $0xC, s4  }
0x7: {  	p0 =	seq.s32 s7, $0x0;
	[dreg:$0x3] =	wrdreg s9;
	s8 =	smul.u32 $0xD, s4  }
0x8: {  	s28 =	ssub.s32 $0x2, s7;
	[dreg:$0x5] =	wrdreg s5;
	s4 =	sadd.s32 $0x10, s6  }
0x9: {  	s5 =	sxor.u32 $0xD, s7;
	s7 =	ssub.s32 $0xC, s7;
	s4 =	smov.u32 @p0 s8  }
0xa: {  	s9 =	simm.s32 $0x1;
	s29 =	sshrl.u32 s28, $0x1;
	s30 =	sshll.u32 s4, $0x6  }
0xb: {  	[dreg:$0x4] =	wrdreg s10;
	s8 =	ssub.s32 s28, s29;
	s31 =	sand.u32 $0x1FFFFFC0, s30  }
0xc: {  	s10 =	simm.s32 $0x5;
	s8 =	smax.u32 s8, $0x1;
	s6 =	sadd.s32 s2, s31  }
.LBB2_1:
0xd: {  	_ =	strace $0x80000048;
	p2 =	sne.s32 s5, $0x1  }
.Ltmp0:
0xe: {  	p0 =	seq.s32 s5, $0x1;
	s13 =	simm.s32 $0x1;
	(pc) =	sbr.rel @!p2 .LBB2_2-.Ltmp0, $4  }
0xf: {  	[tilespmem:s3], [sflag:$0x1] =	stream.linear.gather [hbm4b:s6+s3], $0x200, $0x200038;
	[tilespmem:$0x10400] =	vst v63  }
0x10: {  	s12 =	simm.s32 $0x1;
	p1 =	por $0x1, $0x1;
	s13 =	simm.s32 @p0 $0x0  }
0x11: {  	p6 =	sgt.u32 s7, $0x0;
	p4 =	por p1, p1;
	p3 =	sne.s32 s13, $0x0  }
0x12: {  	_ =	strace $0x90000048;
	p5 =	por !p6, !p3;
	p6 =	por $0x0, $0x0  }
0x13: {  	p2 =	por !p5, !p5  }
0x14: {  	s21 =	sand.u32 $0x1, s3;
	s19 =	simm.s32 $0x2;
	s14 =	sadd.s32 @p2 s4, s13  }
0x15: {  	p1 =	por p3, p3;
	s15 =	sand.u32 @p2 $0x1, s9;
	s14 =	sshll.u32 @p2 s14, $0x6  }
0x16: {  	_ =	strace @p2 $0x80000049;
	s17 =	simm.s32 @p2 $0x0;
	s14 =	sand.u32 @p2 $0x1FFFFFC0, s14  }
0x17: {  	s16 =	sshll.u32 @p2 s15, $0x9;
	s15 =	sadd.s32 @p2 $0x1, s15;
	s14 =	sadd.s32 @p2 s2, s14  }
0x18: {  	[tilespmem:s16], [sflag:s15] =	stream.linear.gather @p2 [hbm4b:s14+s17], $0x200, $0x200038;
	[tilespmem:$0x10400] =	vst v63  }
0x19: {  	s30 =	simm.s32 $0x0;
	p6 =	por $0x0, $0x0;
	_ =	strace @p2 $0x90000049  }
0x1a: {  	p0 =	sne.s32 s5, $0x2;
	s29 =	sadd.s32 $0x1, s21;
	_ =	strace $0x8000004A  }
0x1b: {  	s24 =	sadd.s32 $0x0, s4;
	p5 =	sgt.u32 s7, $0x1;
	_ =	swait.ge [sflag:s29], $0x200  }
0x1c: {  	s23 =	simm.s32 $0x1;
	s22 =	sshll.u32 s21, $0xF;
	[sflag:s29] =	ssyncset.done $0x0  }
0x1d: {  	s22 =	sor.u32 $0x400, s22;
	s16 =	sand.u32 @!p4 $0x1, s3;
	[sflag:s29] =	ssyncadd.s32 $0xFFFFFE00  }
0x1e: {  	s15 =	simm.s32 $0x1;
	s17 =	sadd.s32 $0x1, s13;
	_ =	strace $0x9000004A  }
0x1f: {  	s14 =	sand.u32 $0x200, s30;
	s15 =	simm.s32 @!p2 $0x0;
	_ =	strace $0x8000004B  }
0x20: {  	p2 =	por p4, p4;
	p4 =	por p6, p6;
	s20 =	rddreg [dreg:$0x4]  }
0x21: {  	p3 =	seq.s32 s17, s5;
	p6 =	seq.s32 s7, $0x0;
	s31 =	rddreg [dreg:$0x3]  }
0x22: {  	[tilespmem:s22], [sflag:$0x5] =	stream.indirect.gather [hbm4b:s31+s20], $0x40, s14, s20, $0x2000b8;
	[tilespmem:$0x10400] =	vst v63  }
.Ltmp1:
0x23: {  	s18 =	sadd.s32 $0x1, s15;
	s17 =	simm.s32 @p3 $0x0;
	(pc) =	sbr.rel @!p0 .LBB2_4-.Ltmp1, $4  }
0x24: {  	p1 =	por p6, p1;
	p6 =	por $0x0, $0x0;
	_ =	swait.ge [sflag:s10], $0x8000  }
0x25: {  	s15 =	simm.s32 $0x0;
	p3 =	sne.s32 s13, s17;
	[sflag:s10] =	ssyncset.done $0x0  }
0x26: {  	s23 =	simm.s32 @!p6 $0x0;
	p5 =	por !p5, !p3;
	[sflag:s10] =	ssyncadd.s32 $0xFFFF8000  }
0x27: {  	s14 =	simm.s32 $0x0;
	s20 =	simm.s32 $0x0;
	_ =	strace $0x9000004B  }
.LBB2_5:
0x28: {  	_ =	strace @p1 $0x8000004C;
	s14 =	sadd.s32 s23, s14;
	s23 =	smov.u32 s12  }
0x29: {  	s12 =	smov.u32 s19;
	s19 =	sadd.s32 $0x1, s19;
	p0 =	por p3, p3  }
0x2a: {  	s29 =	sshll.u32 @p1 s24, $0xC;
	s21 =	sadd.s32 @p1 $0x3, s21;
	s25 =	simm.s32 @!p0 $0x0  }
0x2b: {  	s26 =	rddreg [dreg:$0x5];
	s29 =	sand.u32 @p1 $0x1FFFF000, s29;
	s25 =	simm.s32 @p0 $0x1  }
0x2c: {  	s26 =	sadd.s32 @p1 s26, s29;
	s29 =	simm.s32 @p1 $0x0;
	p0 =	sne.s32 s5, s19  }
0x2d: {  	[hbm4b:s26+s29] =	stream.linear.scatter @p1 [tilespmem:s22], [sflag:s21], $0x8000, $0x200038;
	[tilespmem:$0x10400] =	vst v63  }
0x2e: {  	s21 =	sadd.s32 @!p2 $0x3, s16;
	s16 =	simm.s32 @!p0 $0x0  }
0x2f: {  	s28 =	simm.s32 $0x1;
	[smem:$0x7FC] =	sst s25;
	s16 =	simm.s32 @p0 $0x1  }
0x30: {  	s28 =	simm.s32 @!p1 $0x0;
	_ =	strace @p1 $0x9000004C;
	[smem:$0x7FD] =	sst s16  }
0x31: {  	s20 =	sadd.s32 s28, s20;
	s25 =	sand.u32 @!p4 $0x1, s14;
	_ =	strace @!p2 $0x8000004D  }
0x32: {  	p1 =	por !p5, !p5;
	s16 =	smov.u32 s25;
	_ =	swait.ge @!p2 [sflag:s21], $0x8000  }
0x33: {  	s22 =	sand.u32 @p1 $0x1, s18;
	s25 =	sadd.s32 @p1 s4, s17;
	[sflag:s21] =	ssyncset.done @!p2 $0x0  }
0x34: {  	s26 =	sshll.u32 @p1 s22, $0x9;
	s25 =	sshll.u32 @p1 s25, $0x6;
	[sflag:s21] =	ssyncadd.s32 @!p2 $0xFFFF8000  }
0x35: {  	s21 =	sadd.s32 @p1 $0x1, s22;
	s22 =	sand.u32 @p1 $0x1FFFFFC0, s25;
	_ =	strace @!p2 $0x9000004D  }
0x36: {  	s25 =	simm.s32 @p1 $0x0;
	s22 =	sadd.s32 @p1 s2, s22;
	_ =	strace @p1 $0x80000049  }
0x37: {  	[tilespmem:s26], [sflag:s21] =	stream.linear.gather @p1 [hbm4b:s22+s25], $0x200, $0x200038;
	[tilespmem:$0x10400] =	vst v63  }
0x38: {  	s15 =	sadd.s32 s28, s15;
	s28 =	sand.u32 $0x1, s20;
	_ =	strace @p1 $0x90000049  }
0x39: {  	s28 =	sadd.s32 $0x1, s28;
	_ =	strace $0x8000004A  }
0x3a: {  	_ =	swait.ge [sflag:s28], $0x200  }
0x3b: {  	[sflag:s28] =	ssyncset.done $0x0  }
0x3c: {  	s21 =	simm.s32 $0x1;
	[sflag:s28] =	ssyncadd.s32 $0xFFFFFE00  }
0x3d: {  	s21 =	simm.s32 @!p1 $0x0;
	_ =	strace $0x9000004A  }
0x3e: {  	s18 =	sadd.s32 s21, s18;
	s21 =	sand.u32 $0x1, s15;
	_ =	strace $0x8000004B  }
0x3f: {  	s31 =	sshll.u32 s20, $0x9;
	s29 =	sshll.u32 s21, $0xF;
	s25 =	rddreg [dreg:$0x4]  }
0x40: {  	s31 =	sand.u32 $0x200, s31;
	s22 =	sor.u32 $0x400, s29;
	s26 =	rddreg [dreg:$0x3]  }
0x41: {  	[tilespmem:s22], [sflag:$0x5] =	stream.indirect.gather [hbm4b:s26+s25], $0x40, s31, s25, $0x2000b8;
	[tilespmem:$0x10400] =	vst v63  }
0x42: {  	_ =	swait.ge [sflag:s10], $0x8000  }
0x43: {  	[sflag:s10] =	ssyncset.done $0x0  }
0x44: {  	[sflag:s10] =	ssyncadd.s32 $0xFFFF8000  }
0x45: {  	s30 =	sadd.s32 $0x1, s17;
	_ =	strace $0x9000004B  }
0x46: {  	s24 =	sadd.s32 s4, s13;
	s13 =	smov.u32 s17;
	s31 =	sld [smem:$0x7FD]  }
0x47: {  	p0 =	sne.s32 s23, $0x0;
	s17 =	smov.u32 s30;
	p1 =	seq.s32 s30, s5  }
0x48: {  	s17 =	simm.s32 @p1 $0x0;
	p1 =	seq.s32 s7, s23;
	s23 =	simm.s32 $0x1  }
0x49: {  	s23 =	simm.s32 @!p0 $0x0;
	p0 =	seq.s32 s31, $0x1  }
.Ltmp2:
0x4a: {  	s30 =	sld [smem:$0x7FC];
	(pc) =	sbr.rel @p0 .LBB2_5-.Ltmp2, $4  }
0x4b: {  	p3 =	seq.s32 s12, $0x0  }
0x4c: {  	p6 =	por p3, p3;
	p5 =	slt.u32 s12, s7  }
0x4d: {  	p2 =	por p4, p4;
	p3 =	sne.s32 s13, s17;
	p4 =	seq.s32 s30, $0x1  }
0x4e: {  	p5 =	por !p5, !p3;
	p1 =	por p1, p4;
	p4 =	por p6, p6  }
0x4f: {  	p6 =	por $0x1, $0x1  }
.LBB2_7:
0x50: {  	p0 =	por !p1, !p6  }
0x51: {  	s25 =	simm.s32 $0x1;
	_ =	strace @!p0 $0x8000004C;
	s24 =	sshll.u32 @!p0 s24, $0xC  }
0x52: {  	p2 =	por p2, !p6;
	s19 =	rddreg [dreg:$0x5];
	s24 =	sand.u32 @!p0 $0x1FFFF000, s24  }
0x53: {  	s21 =	sadd.s32 @!p0 $0x3, s21;
	s19 =	sadd.s32 @!p0 s19, s24;
	s24 =	simm.s32 @!p0 $0x0  }
0x54: {  	[hbm4b:s19+s24] =	stream.linear.scatter @!p0 [tilespmem:s22], [sflag:s21], $0x8000, $0x200038;
	[tilespmem:$0x10400] =	vst v63  }
0x55: {  	p1 =	por !p5, !p5;
	s25 =	simm.s32 @p0 $0x0;
	_ =	strace @!p0 $0x9000004C  }
0x56: {  	s16 =	sadd.s32 @!p2 $0x3, s16;
	s17 =	sadd.s32 @p1 s4, s17;
	_ =	strace @!p2 $0x8000004D  }
0x57: {  	s18 =	sand.u32 @p1 $0x1, s18;
	s17 =	sshll.u32 @p1 s17, $0x6;
	_ =	swait.ge @!p2 [sflag:s16], $0x8000  }
0x58: {  	s17 =	sand.u32 @p1 $0x1FFFFFC0, s17;
	s19 =	sadd.s32 @p6 s25, s20;
	[sflag:s16] =	ssyncset.done @!p2 $0x0  }
0x59: {  	s20 =	simm.s32 $0x0;
	s17 =	sadd.s32 @p1 s2, s17;
	[sflag:s16] =	ssyncadd.s32 @!p2 $0xFFFF8000  }
0x5a: {  	s20 =	smov.u32 @p6 s19;
	s19 =	sshll.u32 @p1 s18, $0x9;
	_ =	strace @!p2 $0x9000004D  }
0x5b: {  	s16 =	sadd.s32 @p1 $0x1, s18;
	s18 =	simm.s32 @p1 $0x0;
	_ =	strace @p1 $0x80000049  }
0x5c: {  	[tilespmem:s19], [sflag:s16] =	stream.linear.gather @p1 [hbm4b:s17+s18], $0x200, $0x200038;
	[tilespmem:$0x10400] =	vst v63  }
0x5d: {  	s26 =	sand.u32 $0x1, s20;
	_ =	strace @p1 $0x90000049  }
0x5e: {  	s16 =	sadd.s32 $0x1, s26;
	_ =	strace $0x8000004A  }
0x5f: {  	_ =	swait.ge [sflag:s16], $0x200  }
0x60: {  	[sflag:s16] =	ssyncset.done $0x0  }
0x61: {  	s15 =	sadd.s32 @p6 s25, s15;
	[sflag:s16] =	ssyncadd.s32 $0xFFFFFE00;
	s16 =	simm.s32 $0x0  }
0x62: {  	_ =	strace $0x9000004A;
	s16 =	smov.u32 @p6 s15  }
0x63: {  	_ =	strace $0x8000004B;
	s16 =	sand.u32 $0x1, s16  }
0x64: {  	s30 =	sshll.u32 s20, $0x9;
	s28 =	rddreg [dreg:$0x4];
	s31 =	sshll.u32 s16, $0xF  }
0x65: {  	s18 =	sand.u32 $0x200, s30;
	s29 =	rddreg [dreg:$0x3];
	s19 =	sor.u32 $0x400, s31  }
0x66: {  	[tilespmem:s19], [sflag:$0x5] =	stream.indirect.gather [hbm4b:s29+s28], $0x40, s18, s28, $0x2000b8;
	[tilespmem:$0x10400] =	vst v63  }
0x67: {  	_ =	swait.ge [sflag:s10], $0x8000  }
0x68: {  	p3 =	por p3, p3;
	[sflag:s10] =	ssyncset.done $0x0  }
0x69: {  	p5 =	seq.s32 s7, s12;
	s13 =	sadd.s32 s4, s13;
	[sflag:s10] =	ssyncadd.s32 $0xFFFF8000  }
0x6a: {  	s14 =	sadd.s32 @p6 s23, s14;
	p1 =	por p5, p3;
	_ =	strace $0x9000004B  }
0x6b: {  	s17 =	simm.s32 $0x0;
	s13 =	sshll.u32 @p1 s13, $0xC;
	_ =	strace @p1 $0x8000004C  }
0x6c: {  	s17 =	smov.u32 @p6 s14;
	s13 =	sand.u32 @p1 $0x1FFFF000, s13;
	s15 =	rddreg [dreg:$0x5]  }
0x6d: {  	s14 =	sadd.s32 @p1 $0x3, s16;
	s13 =	sadd.s32 @p1 s15, s13;
	s15 =	simm.s32 @p1 $0x0  }
0x6e: {  	[hbm4b:s13+s15] =	stream.linear.scatter @p1 [tilespmem:s19], [sflag:s14], $0x8000, $0x200038;
	[tilespmem:$0x10400] =	vst v63  }
0x6f: {  	p0 =	por p4, p4;
	s13 =	sand.u32 @!p4 $0x1, s17;
	_ =	strace @p1 $0x9000004C  }
0x70: {  	s13 =	sadd.s32 @!p0 $0x3, s13;
	_ =	strace @!p0 $0x8000004D  }
0x71: {  	p1 =	sne.s32 s12, $0x0;
	s12 =	simm.s32 $0x1;
	_ =	swait.ge @!p0 [sflag:s13], $0x8000  }
0x72: {  	s12 =	simm.s32 @!p1 $0x0;
	[sflag:s13] =	ssyncset.done @!p0 $0x0  }
0x73: {  	s11 =	sadd.s32 $0x1, s11;
	s12 =	sadd.s32 s12, s17;
	[sflag:s13] =	ssyncadd.s32 @!p0 $0xFFFF8000  }
0x74: {  	s12 =	sand.u32 $0x1, s12;
	_ =	strace @!p0 $0x9000004D;
	p0 =	sne.s32 s11, s8  }
.Ltmp3:
0x75: {  	s12 =	sadd.s32 $0x3, s12;
	_ =	strace $0x8000004E;
	(pc) =	sbr.rel @p0 .LBB2_1-.Ltmp3, $4  }
.Ltmp4:
0x76: {  	_ =	swait.ge [sflag:s12], $0x8000;
	(pc) =	sbr.rel @!p0 .LBB2_8-.Ltmp4, $4  }
0x77: {  	[sflag:s12] =	ssyncset.done $0x0  }
0x78: {  	[sflag:s12] =	ssyncadd.s32 $0xFFFF8000  }
0x79: {  	_ =	strace $0x9000004E  }
0x7a: {  	_ = 	snop  }
.LBB2_2:
.Ltmp5:
0x7b: {  	(pc) =	sbr.rel .LBB2_7-.Ltmp5, $4  }
0x7c: {  	_ = 	snop  }
0x7d: {  	s14 =	simm.s32 $0x0  }
0x7e: {  	s12 =	simm.s32 $0x0;
	s15 =	simm.s32 $0x0;
	s17 =	smov.u32 s13  }
0x7f: {  	s20 =	simm.s32 $0x0;
	s18 =	simm.s32 $0x1;
	s13 =	simm.s32 $0x0  }
.LBB2_4:
.Ltmp6:
0x80: {  	(pc) =	sbr.rel .LBB2_7-.Ltmp6, $3  }
0x81: {  	_ =	sdelay $0x1  }
0x82: {  	s14 =	simm.s32 $0x0  }
0x83: {  	s15 =	simm.s32 $0x0;
	s20 =	simm.s32 $0x0;
	p6 =	por $0x1, $0x1  }
.LBB2_8:
0x84: {  	_ =	sfence.sel $0x180000  }
0x85: {  	[bflag:$0x0] =	sbarrier.arrive $0xFFFF  }
0x86: {  	p0 =	sne.s32 s1, $0x0;
	_ =	strace $0x90000047  }
0x87: {  	s0 =	sadd.s32 @!p0 $0x100000, s0;
	[bflag:$0x2] =	sbarrier.arrive $0xFFFF  }
0x88: {  	[sflag:s0] =	ssyncadd.tile.s32 @!p0 $0x1;
	_ =	shalt  }
.Lfunc_end2:
_tile_overlayer_lowered:
.L_overlay_start_2:
0x89: {  	(tag) =	ssettag $0x2  }
0x8a: {  	s0 =	rddreg [dreg:$0x0];
	s2 =	stileid.u32  }
0x8b: {  	s1 =	rddreg [dreg:$0x1];
	p0 =	sne.s32 s2, $0x0  }
0x8c: {  	s3 =	rddreg [dreg:$0x2];
	[bflag:$0x3] =	sbarrier.arrive $0xFFFF;
	s2 =	simm.s32 @!p0 $0x1C01  }
0x8d: {  	[timem:s3], [sflag:s2] =	dma.local @!p0 [hbm:s0], s1  }
0x8e: {  	s0 =	simm.s32 @!p0 $0x1  }
0x8f: {  	_ =	swait.ge @!p0 [sflag:s0], s1  }
0x90: {  	s1 =	ssub.s32 @!p0 $0x0, s1;
	[sflag:s0] =	ssyncset.done @!p0 $0x0  }
0x91: {  	[sflag:s0] =	ssyncadd.s32 @!p0 s1  }
0x92: {  	[bflag:$0x3] =	sbarrier.arrive $0xFFFF  }
0x93: {  	_ =	shalt  }

</sc_bundles>
